<compile_context>
chip_gen: v7x
topology: tpu7x:2x2x1
jax: 0.10.2.dev20260603
libtpu: 0.0.44.dev20260713+nightly
codegen_flags: <defaults>
</compile_context>

<pallas_src>
import functools

import jax
import jax.numpy as jnp
from jax import lax
from jax.experimental import pallas as pl
from jax.experimental.pallas import tpu as pltpu
from jax.experimental.pallas import tpu_sc as plsc

N = 10000
D = 128
NC, NS, L = 2, 16, 16
NW = NC * NS
CHUNK = 128
NCHUNK = 80
EPW = CHUNK * NCHUNK
EPAD = EPW * NW
ROWS_PER_TILE = 632
NPAD = ROWS_PER_TILE * NS
HIST_PER_TILE = 640
HIST_PAD = HIST_PER_TILE * NS

_MESH = plsc.VectorSubcoreMesh(core_axis_name="c", subcore_axis_name="s")


@functools.partial(
    pl.kernel,
    out_type=jax.ShapeDtypeStruct((NC, HIST_PAD), jnp.float32),
    mesh=_MESH,
    scratch_types=[
        pltpu.VMEM((NCHUNK, CHUNK), jnp.int32),
        pltpu.VMEM((CHUNK,), jnp.float32),
        pltpu.VMEM((HIST_PER_TILE,), jnp.float32),
        pltpu.VMEM_SHARED((HIST_PAD,), jnp.float32),
    ],
)
def _sc_hist(dst_hbm, out_hbm, idx_v, ones_v, zeros_v, hist_sh):
    c = lax.axis_index("c")
    s = lax.axis_index("s")
    w = s * NC + c

    def fill_ones(i, carry):
        ones_v[pl.ds(i * L, L)] = jnp.full((L,), 1.0, jnp.float32)
        return carry

    lax.fori_loop(0, CHUNK // L, fill_ones, 0)

    def fill_zeros(i, carry):
        zeros_v[pl.ds(i * L, L)] = jnp.zeros((L,), jnp.float32)
        return carry

    lax.fori_loop(0, HIST_PER_TILE // L, fill_zeros, 0)

    pltpu.sync_copy(zeros_v, hist_sh.at[pl.ds(s * HIST_PER_TILE, HIST_PER_TILE)])
    pltpu.sync_copy(dst_hbm.at[w], idx_v)
    plsc.subcore_barrier()

    def body(j, carry):
        pltpu.sync_copy(ones_v, hist_sh.at[idx_v.at[j]], add=True)
        return carry

    lax.fori_loop(0, NCHUNK, body, 0)
    plsc.subcore_barrier()

    @pl.when(s == 0)
    def _():
        pltpu.sync_copy(hist_sh, out_hbm.at[c])


def _tc_transform_body(x_ref, w_ref, hist_ref, hs_ref, dis_ref):
    deg = hist_ref[0, :N] + hist_ref[1, :N] + 1.0
    dis = lax.rsqrt(deg)
    h = jnp.dot(x_ref[...], w_ref[...], preferred_element_type=jnp.float32)
    hs_ref[...] = h * dis[:, None]
    dis_ref[...] = dis


_tc_transform = pl.pallas_call(
    _tc_transform_body,
    out_shape=[
        jax.ShapeDtypeStruct((N, D), jnp.float32),
        jax.ShapeDtypeStruct((N,), jnp.float32),
    ],
)


@functools.partial(
    pl.kernel,
    out_type=jax.ShapeDtypeStruct((NC, NPAD, D), jnp.float32),
    mesh=_MESH,
    scratch_types=[
        pltpu.VMEM((CHUNK,), jnp.int32),
        pltpu.VMEM((CHUNK,), jnp.int32),
        pltpu.VMEM((CHUNK,), jnp.int32),
        pltpu.VMEM((CHUNK,), jnp.int32),
        pltpu.VMEM((CHUNK,), jnp.int32),
        pltpu.VMEM((CHUNK,), jnp.int32),
        pltpu.VMEM((CHUNK, D), jnp.float32),
        pltpu.VMEM((CHUNK, D), jnp.float32),
        pltpu.VMEM((CHUNK, D), jnp.float32),
        pltpu.VMEM_SHARED((NPAD, D), jnp.float32),
        pltpu.SemaphoreType.DMA,
        pltpu.SemaphoreType.DMA,
        pltpu.SemaphoreType.DMA,
        pltpu.SemaphoreType.DMA,
        pltpu.SemaphoreType.DMA,
        pltpu.SemaphoreType.DMA,
    ],
)
def _sc_agg(hs_hbm, srcw_hbm, dstw_hbm, zeros_hbm, out_hbm,
            s0, s1, s2, d0, d1, d2, b0, b1, b2, acc_sh,
            g0, g1, g2, i0, i1, i2):
    sbuf = (s0, s1, s2)
    dbuf = (d0, d1, d2)
    buf = (b0, b1, b2)
    gsem = (g0, g1, g2)
    isem = (i0, i1, i2)
    c = lax.axis_index("c")
    s = lax.axis_index("s")
    w = s * NC + c

    rslice = pl.ds(s * ROWS_PER_TILE, ROWS_PER_TILE)
    pltpu.sync_copy(zeros_hbm.at[rslice], acc_sh.at[rslice])
    plsc.subcore_barrier()

    def stage(j, r):
        pltpu.async_copy(srcw_hbm.at[w].at[j], sbuf[r], isem[r])
        pltpu.async_copy(dstw_hbm.at[w].at[j], dbuf[r], isem[r])

    def wait_stage(j, r):
        pltpu.make_async_copy(srcw_hbm.at[w].at[j], sbuf[r], isem[r]).wait()
        pltpu.make_async_copy(dstw_hbm.at[w].at[j], dbuf[r], isem[r]).wait()

    def gather(r):
        pltpu.async_copy(hs_hbm.at[sbuf[r]], buf[r], gsem[r])

    def wait_gather(r):
        pltpu.make_async_copy(hs_hbm.at[sbuf[r]], buf[r], gsem[r]).wait()

    def scatter(r):
        pltpu.sync_copy(buf[r], acc_sh.at[dbuf[r]], add=True)

    for k in range(3):
        stage(k, k)
    for k in range(2):
        wait_stage(k, k)
        gather(k)

    def body3(jo, carry):
        j0 = jo * 3
        for r in range(3):
            j = j0 + r
            r2 = (r + 2) % 3
            wait_stage(j + 2, r2)
            gather(r2)
            wait_gather(r)
            scatter(r)
            stage(j + 3, r)
        return carry

    lax.fori_loop(0, (NCHUNK - 5) // 3, body3, 0)

    for j in range(NCHUNK - 5, NCHUNK):
        r = j % 3
        r2 = (r + 2) % 3
        if j + 2 < NCHUNK:
            wait_stage(j + 2, r2)
            gather(r2)
        wait_gather(r)
        scatter(r)
        if j + 3 < NCHUNK:
            stage(j + 3, r)

    plsc.subcore_barrier()
    pltpu.sync_copy(acc_sh.at[rslice], out_hbm.at[c].at[rslice])


def _tc_final_body(acc_ref, hs_ref, dis_ref, b_ref, out_ref):
    agg = acc_ref[0, :N, :] + acc_ref[1, :N, :] + hs_ref[...]
    out_ref[...] = jnp.maximum(agg * dis_ref[...][:, None] + b_ref[...][None, :], 0.0)


_tc_final = pl.pallas_call(
    _tc_final_body,
    out_shape=jax.ShapeDtypeStruct((N, D), jnp.float32),
)


def kernel(x, edge_index, W, b):
    src = edge_index[0].astype(jnp.int32)
    dst = edge_index[1].astype(jnp.int32)
    e = src.shape[0]
    pad = EPAD - e
    pad_idx = jnp.arange(pad, dtype=jnp.int32)
    src_pad = pad_idx % N
    dst_pad = N + pad_idx % (NPAD - N)
    srcp = jnp.concatenate([src, src_pad]).reshape(NW, NCHUNK, CHUNK)
    dstp = jnp.concatenate([dst, dst_pad]).reshape(NW, NCHUNK, CHUNK)
    hist = _sc_hist(dstp)
    hs, dis = _tc_transform(x, W, hist)
    zeros = jnp.zeros((NPAD, D), jnp.float32)
    acc = _sc_agg(hs, srcp, dstp, zeros)
    return _tc_final(acc, hs, dis, b)

# --- scband reference (transcript-rebuilt; emitter-appended) ---
"""Pipeline reference for scband-gnn-31069793419698 (READ-ONLY COPY).

The authoritative reference and input builder live on the scoring server;
editing this copy changes nothing except your own understanding.
"""

import jax, jax.numpy as jnp
import numpy as np

N_NODES = 10000
N_EDGES = 320000
D_IN = 128
D_OUT = 128


def setup_inputs(seed: int = 0) -> dict:
    key = jax.random.key(seed)
    k_x, k_ei, k_w, k_b = jax.random.split(key, 4)
    x = jax.random.normal(k_x, (N_NODES, D_IN), dtype=jnp.float32)
    edge_index = jax.random.randint(k_ei, (2, N_EDGES), 0, N_NODES, dtype=jnp.int64)
    # GCNConv linear weight (glorot) and bias (zeros in PyG; small init here)
    W = jax.random.normal(k_w, (D_IN, D_OUT), dtype=jnp.float32) * (1.0 / np.sqrt(D_IN))
    b = jnp.zeros((D_OUT,), dtype=jnp.float32)
    return {"x": x, "edge_index": edge_index, "W": W, "b": b}


def reference(x, edge_index, W, b):
    # Faithful GCNConv (PyG semantics): add self-loops, symmetric normalization,
    # linear transform, scatter-add aggregation to dst, add bias, then ReLU (act).
    N = x.shape[0]
    src = edge_index[0]
    dst = edge_index[1]
    loop = jnp.arange(N, dtype=edge_index.dtype)
    src = jnp.concatenate([src, loop], axis=0)
    dst = jnp.concatenate([dst, loop], axis=0)
    ew = jnp.ones((src.shape[0],), dtype=x.dtype)
    # degree computed on destination nodes
    deg = jnp.zeros((N,), dtype=x.dtype).at[dst].add(ew)
    deg_inv_sqrt = jnp.where(deg > 0, jax.lax.rsqrt(deg), 0.0)
    norm = deg_inv_sqrt[src] * ew * deg_inv_sqrt[dst]
    h = x @ W  # linear transform
    msg = h[src] * norm[:, None]  # gather + scale
    out = jnp.zeros((N, W.shape[1]), dtype=x.dtype).at[dst].add(msg)  # scatter-add
    out = out + b
    return jax.nn.relu(out)

if __name__ == "__main__":
    import jax
    _d = setup_inputs()
    print(jax.jit(kernel)(*tuple(_d.values())))

</pallas_src>

<mosaic_0001>
#map = affine_map<(d0, d1) -> (0, 0)>
#map1 = affine_map<(d0, d1) -> (0, 0, 0)>
module attributes {stable_mosaic.version = 14 : i64} {
  func.func @_sc_agg(%arg0: i32, %arg1: i32, %arg2: memref<10000x128xf32, #tpu.memory_space<hbm>>, %arg3: memref<32x80x128xi32, #tpu.memory_space<hbm>>, %arg4: memref<32x80x128xi32, #tpu.memory_space<hbm>>, %arg5: memref<10112x128xf32, #tpu.memory_space<hbm>>, %arg6: memref<2x10112x128xf32, #tpu.memory_space<hbm>>, %arg7: memref<128xi32, #tpu.memory_space<vmem>>, %arg8: memref<128xi32, #tpu.memory_space<vmem>>, %arg9: memref<128xi32, #tpu.memory_space<vmem>>, %arg10: memref<128xi32, #tpu.memory_space<vmem>>, %arg11: memref<128xi32, #tpu.memory_space<vmem>>, %arg12: memref<128xi32, #tpu.memory_space<vmem>>, %arg13: memref<128x128xf32, #tpu.memory_space<vmem>>, %arg14: memref<128x128xf32, #tpu.memory_space<vmem>>, %arg15: memref<128x128xf32, #tpu.memory_space<vmem>>, %arg16: memref<10112x128xf32, #tpu.memory_space<vmem_shared>>, %arg17: memref<!tpu.dma_semaphore, #tpu.memory_space<semaphore_mem>>, %arg18: memref<!tpu.dma_semaphore, #tpu.memory_space<semaphore_mem>>, %arg19: memref<!tpu.dma_semaphore, #tpu.memory_space<semaphore_mem>>, %arg20: memref<!tpu.dma_semaphore, #tpu.memory_space<semaphore_mem>>, %arg21: memref<!tpu.dma_semaphore, #tpu.memory_space<semaphore_mem>>, %arg22: memref<!tpu.dma_semaphore, #tpu.memory_space<semaphore_mem>>) attributes {dimension_semantics = [#tpu.dimension_semantics<core_parallel>, #tpu.dimension_semantics<subcore_parallel>], iteration_bounds = array<i64: 2, 16>, scalar_prefetch = 0 : i64, scratch_operands = 16 : i64, tpu.core_type = #tpu.core_type<sc_vector_subcore>, window_params = [{transform_indices = #map}, {transform_indices = #map1}, {transform_indices = #map1}, {transform_indices = #map}, {transform_indices = #map1}]} {
    %mul3A = arith.constant 2 : i32
    %mul3A_0 = arith.muli %arg1, %mul3A : i32
    %add3A = arith.addi %mul3A_0, %arg0 : i32
    %mul3A_1 = arith.constant 632 : i32
    %mul3A_2 = arith.muli %arg1, %mul3A_1 : i32
    "tpu.region"() ({
      %run_scoped3A = tpu.sem_alloc : memref<!tpu.dma_semaphore, #tpu.memory_space<semaphore_mem>>
      %dma_start3A_337 = arith.constant 0 : i32
      %dma_start3A_338 = tpu.memref_slice %arg16[%mul3A_2, %dma_start3A_337] : memref<10112x128xf32, #tpu.memory_space<vmem_shared>> -> memref<632x128xf32, #tpu.memory_space<vmem_shared>>
      %dma_start3A_339 = arith.constant 0 : i32
      %dma_start3A_340 = tpu.memref_slice %arg5[%mul3A_2, %dma_start3A_339] : memref<10112x128xf32, #tpu.memory_space<hbm>> -> memref<632x128xf32, #tpu.memory_space<hbm>>
      tpu.enqueue_dma source(%dma_start3A_340 : memref<632x128xf32, #tpu.memory_space<hbm>>) target(%dma_start3A_338 : memref<632x128xf32, #tpu.memory_space<vmem_shared>>) target_semaphore(%run_scoped3A : memref<!tpu.dma_semaphore, #tpu.memory_space<semaphore_mem>>)
      %dma_wait3A_341 = arith.constant 0 : i32
      %dma_wait3A_342 = tpu.memref_slice %arg16[%mul3A_2, %dma_wait3A_341] : memref<10112x128xf32, #tpu.memory_space<vmem_shared>> -> memref<632x128xf32, #tpu.memory_space<vmem_shared>>
      %dma_wait3A_343 = arith.constant 0 : i32
      %dma_wait3A_344 = tpu.memref_slice %arg5[%mul3A_2, %dma_wait3A_343] : memref<10112x128xf32, #tpu.memory_space<hbm>> -> memref<632x128xf32, #tpu.memory_space<hbm>>
      tpu.wait_dma2 semaphore(%run_scoped3A : memref<!tpu.dma_semaphore, #tpu.memory_space<semaphore_mem>>) src(%dma_wait3A_344 : memref<632x128xf32, #tpu.memory_space<hbm>>) dst(%dma_wait3A_342 : memref<632x128xf32, #tpu.memory_space<vmem_shared>>)
      tpu.yield
    }) : () -> ()
    %barrier3A = arith.constant 0 : index
    tpu.barrier barrier_id(%barrier3A)
    %dma_start3A = arith.constant 0 : i32
    %dma_start3A_3 = arith.constant 0 : i32
    %dma_start3A_4 = arith.constant 0 : i32
    %dma_start3A_5 = tpu.memref_slice %arg3[%add3A, %dma_start3A_3, %dma_start3A_4] : memref<32x80x128xi32, #tpu.memory_space<hbm>> -> memref<1x80x128xi32, #tpu.memory_space<hbm>>
    %dma_start3A_6 = tpu.memref_squeeze %dma_start3A_5 : memref<1x80x128xi32, #tpu.memory_space<hbm>> -> memref<80x128xi32, #tpu.memory_space<hbm>>
    %dma_start3A_7 = arith.constant 0 : i32
    %dma_start3A_8 = tpu.memref_slice %dma_start3A_6[%dma_start3A, %dma_start3A_7] : memref<80x128xi32, #tpu.memory_space<hbm>> -> memref<1x128xi32, #tpu.memory_space<hbm>>
    %dma_start3A_9 = tpu.memref_squeeze %dma_start3A_8 : memref<1x128xi32, #tpu.memory_space<hbm>> -> memref<128xi32, #tpu.memory_space<hbm>>
    %dma_start3A_10 = arith.constant 0 : i32
    %dma_start3A_11 = arith.constant 0 : i32
    %dma_start3A_12 = tpu.memref_slice %arg3[%add3A, %dma_start3A_10, %dma_start3A_11] : memref<32x80x128xi32, #tpu.memory_space<hbm>> -> memref<1x80x128xi32, #tpu.memory_space<hbm>>
    %dma_start3A_13 = tpu.memref_squeeze %dma_start3A_12 : memref<1x80x128xi32, #tpu.memory_space<hbm>> -> memref<80x128xi32, #tpu.memory_space<hbm>>
    %dma_start3A_14 = arith.constant 0 : i32
    %dma_start3A_15 = tpu.memref_slice %dma_start3A_13[%dma_start3A, %dma_start3A_14] : memref<80x128xi32, #tpu.memory_space<hbm>> -> memref<1x128xi32, #tpu.memory_space<hbm>>
    %dma_start3A_16 = tpu.memref_squeeze %dma_start3A_15 : memref<1x128xi32, #tpu.memory_space<hbm>> -> memref<128xi32, #tpu.memory_space<hbm>>
    tpu.enqueue_dma source(%dma_start3A_16 : memref<128xi32, #tpu.memory_space<hbm>>) target(%arg7 : memref<128xi32, #tpu.memory_space<vmem>>) target_semaphore(%arg20 : memref<!tpu.dma_semaphore, #tpu.memory_space<semaphore_mem>>)
    %dma_start3A_17 = arith.constant 0 : i32
    %dma_start3A_18 = arith.constant 0 : i32
    %dma_start3A_19 = arith.constant 0 : i32
    %dma_start3A_20 = tpu.memref_slice %arg4[%add3A, %dma_start3A_18, %dma_start3A_19] : memref<32x80x128xi32, #tpu.memory_space<hbm>> -> memref<1x80x128xi32, #tpu.memory_space<hbm>>
    %dma_start3A_21 = tpu.memref_squeeze %dma_start3A_20 : memref<1x80x128xi32, #tpu.memory_space<hbm>> -> memref<80x128xi32, #tpu.memory_space<hbm>>
    %dma_start3A_22 = arith.constant 0 : i32
    %dma_start3A_23 = tpu.memref_slice %dma_start3A_21[%dma_start3A_17, %dma_start3A_22] : memref<80x128xi32, #tpu.memory_space<hbm>> -> memref<1x128xi32, #tpu.memory_space<hbm>>
    %dma_start3A_24 = tpu.memref_squeeze %dma_start3A_23 : memref<1x128xi32, #tpu.memory_space<hbm>> -> memref<128xi32, #tpu.memory_space<hbm>>
    %dma_start3A_25 = arith.constant 0 : i32
    %dma_start3A_26 = arith.constant 0 : i32
    %dma_start3A_27 = tpu.memref_slice %arg4[%add3A, %dma_start3A_25, %dma_start3A_26] : memref<32x80x128xi32, #tpu.memory_space<hbm>> -> memref<1x80x128xi32, #tpu.memory_space<hbm>>
    %dma_start3A_28 = tpu.memref_squeeze %dma_start3A_27 : memref<1x80x128xi32, #tpu.memory_space<hbm>> -> memref<80x128xi32, #tpu.memory_space<hbm>>
    %dma_start3A_29 = arith.constant 0 : i32
    %dma_start3A_30 = tpu.memref_slice %dma_start3A_28[%dma_start3A_17, %dma_start3A_29] : memref<80x128xi32, #tpu.memory_space<hbm>> -> memref<1x128xi32, #tpu.memory_space<hbm>>
    %dma_start3A_31 = tpu.memref_squeeze %dma_start3A_30 : memref<1x128xi32, #tpu.memory_space<hbm>> -> memref<128xi32, #tpu.memory_space<hbm>>
    tpu.enqueue_dma source(%dma_start3A_31 : memref<128xi32, #tpu.memory_space<hbm>>) target(%arg10 : memref<128xi32, #tpu.memory_space<vmem>>) target_semaphore(%arg20 : memref<!tpu.dma_semaphore, #tpu.memory_space<semaphore_mem>>)
    %dma_start3A_32 = arith.constant 1 : i32
    %dma_start3A_33 = arith.constant 0 : i32
    %dma_start3A_34 = arith.constant 0 : i32
    %dma_start3A_35 = tpu.memref_slice %arg3[%add3A, %dma_start3A_33, %dma_start3A_34] : memref<32x80x128xi32, #tpu.memory_space<hbm>> -> memref<1x80x128xi32, #tpu.memory_space<hbm>>
    %dma_start3A_36 = tpu.memref_squeeze %dma_start3A_35 : memref<1x80x128xi32, #tpu.memory_space<hbm>> -> memref<80x128xi32, #tpu.memory_space<hbm>>
    %dma_start3A_37 = arith.constant 0 : i32
    %dma_start3A_38 = tpu.memref_slice %dma_start3A_36[%dma_start3A_32, %dma_start3A_37] : memref<80x128xi32, #tpu.memory_space<hbm>> -> memref<1x128xi32, #tpu.memory_space<hbm>>
    %dma_start3A_39 = tpu.memref_squeeze %dma_start3A_38 : memref<1x128xi32, #tpu.memory_space<hbm>> -> memref<128xi32, #tpu.memory_space<hbm>>
    %dma_start3A_40 = arith.constant 0 : i32
    %dma_start3A_41 = arith.constant 0 : i32
    %dma_start3A_42 = tpu.memref_slice %arg3[%add3A, %dma_start3A_40, %dma_start3A_41] : memref<32x80x128xi32, #tpu.memory_space<hbm>> -> memref<1x80x128xi32, #tpu.memory_space<hbm>>
    %dma_start3A_43 = tpu.memref_squeeze %dma_start3A_42 : memref<1x80x128xi32, #tpu.memory_space<hbm>> -> memref<80x128xi32, #tpu.memory_space<hbm>>
    %dma_start3A_44 = arith.constant 0 : i32
    %dma_start3A_45 = tpu.memref_slice %dma_start3A_43[%dma_start3A_32, %dma_start3A_44] : memref<80x128xi32, #tpu.memory_space<hbm>> -> memref<1x128xi32, #tpu.memory_space<hbm>>
    %dma_start3A_46 = tpu.memref_squeeze %dma_start3A_45 : memref<1x128xi32, #tpu.memory_space<hbm>> -> memref<128xi32, #tpu.memory_space<hbm>>
    tpu.enqueue_dma source(%dma_start3A_46 : memref<128xi32, #tpu.memory_space<hbm>>) target(%arg8 : memref<128xi32, #tpu.memory_space<vmem>>) target_semaphore(%arg21 : memref<!tpu.dma_semaphore, #tpu.memory_space<semaphore_mem>>)
    %dma_start3A_47 = arith.constant 1 : i32
    %dma_start3A_48 = arith.constant 0 : i32
    %dma_start3A_49 = arith.constant 0 : i32
    %dma_start3A_50 = tpu.memref_slice %arg4[%add3A, %dma_start3A_48, %dma_start3A_49] : memref<32x80x128xi32, #tpu.memory_space<hbm>> -> memref<1x80x128xi32, #tpu.memory_space<hbm>>
    %dma_start3A_51 = tpu.memref_squeeze %dma_start3A_50 : memref<1x80x128xi32, #tpu.memory_space<hbm>> -> memref<80x128xi32, #tpu.memory_space<hbm>>
    %dma_start3A_52 = arith.constant 0 : i32
    %dma_start3A_53 = tpu.memref_slice %dma_start3A_51[%dma_start3A_47, %dma_start3A_52] : memref<80x128xi32, #tpu.memory_space<hbm>> -> memref<1x128xi32, #tpu.memory_space<hbm>>
    %dma_start3A_54 = tpu.memref_squeeze %dma_start3A_53 : memref<1x128xi32, #tpu.memory_space<hbm>> -> memref<128xi32, #tpu.memory_space<hbm>>
    %dma_start3A_55 = arith.constant 0 : i32
    %dma_start3A_56 = arith.constant 0 : i32
    %dma_start3A_57 = tpu.memref_slice %arg4[%add3A, %dma_start3A_55, %dma_start3A_56] : memref<32x80x128xi32, #tpu.memory_space<hbm>> -> memref<1x80x128xi32, #tpu.memory_space<hbm>>
    %dma_start3A_58 = tpu.memref_squeeze %dma_start3A_57 : memref<1x80x128xi32, #tpu.memory_space<hbm>> -> memref<80x128xi32, #tpu.memory_space<hbm>>
    %dma_start3A_59 = arith.constant 0 : i32
    %dma_start3A_60 = tpu.memref_slice %dma_start3A_58[%dma_start3A_47, %dma_start3A_59] : memref<80x128xi32, #tpu.memory_space<hbm>> -> memref<1x128xi32, #tpu.memory_space<hbm>>
    %dma_start3A_61 = tpu.memref_squeeze %dma_start3A_60 : memref<1x128xi32, #tpu.memory_space<hbm>> -> memref<128xi32, #tpu.memory_space<hbm>>
    tpu.enqueue_dma source(%dma_start3A_61 : memref<128xi32, #tpu.memory_space<hbm>>) target(%arg11 : memref<128xi32, #tpu.memory_space<vmem>>) target_semaphore(%arg21 : memref<!tpu.dma_semaphore, #tpu.memory_space<semaphore_mem>>)
    %dma_start3A_62 = arith.constant 2 : i32
    %dma_start3A_63 = arith.constant 0 : i32
    %dma_start3A_64 = arith.constant 0 : i32
    %dma_start3A_65 = tpu.memref_slice %arg3[%add3A, %dma_start3A_63, %dma_start3A_64] : memref<32x80x128xi32, #tpu.memory_space<hbm>> -> memref<1x80x128xi32, #tpu.memory_space<hbm>>
    %dma_start3A_66 = tpu.memref_squeeze %dma_start3A_65 : memref<1x80x128xi32, #tpu.memory_space<hbm>> -> memref<80x128xi32, #tpu.memory_space<hbm>>
    %dma_start3A_67 = arith.constant 0 : i32
    %dma_start3A_68 = tpu.memref_slice %dma_start3A_66[%dma_start3A_62, %dma_start3A_67] : memref<80x128xi32, #tpu.memory_space<hbm>> -> memref<1x128xi32, #tpu.memory_space<hbm>>
    %dma_start3A_69 = tpu.memref_squeeze %dma_start3A_68 : memref<1x128xi32, #tpu.memory_space<hbm>> -> memref<128xi32, #tpu.memory_space<hbm>>
    %dma_start3A_70 = arith.constant 0 : i32
    %dma_start3A_71 = arith.constant 0 : i32
    %dma_start3A_72 = tpu.memref_slice %arg3[%add3A, %dma_start3A_70, %dma_start3A_71] : memref<32x80x128xi32, #tpu.memory_space<hbm>> -> memref<1x80x128xi32, #tpu.memory_space<hbm>>
    %dma_start3A_73 = tpu.memref_squeeze %dma_start3A_72 : memref<1x80x128xi32, #tpu.memory_space<hbm>> -> memref<80x128xi32, #tpu.memory_space<hbm>>
    %dma_start3A_74 = arith.constant 0 : i32
    %dma_start3A_75 = tpu.memref_slice %dma_start3A_73[%dma_start3A_62, %dma_start3A_74] : memref<80x128xi32, #tpu.memory_space<hbm>> -> memref<1x128xi32, #tpu.memory_space<hbm>>
    %dma_start3A_76 = tpu.memref_squeeze %dma_start3A_75 : memref<1x128xi32, #tpu.memory_space<hbm>> -> memref<128xi32, #tpu.memory_space<hbm>>
    tpu.enqueue_dma source(%dma_start3A_76 : memref<128xi32, #tpu.memory_space<hbm>>) target(%arg9 : memref<128xi32, #tpu.memory_space<vmem>>) target_semaphore(%arg22 : memref<!tpu.dma_semaphore, #tpu.memory_space<semaphore_mem>>)
    %dma_start3A_77 = arith.constant 2 : i32
    %dma_start3A_78 = arith.constant 0 : i32
    %dma_start3A_79 = arith.constant 0 : i32
    %dma_start3A_80 = tpu.memref_slice %arg4[%add3A, %dma_start3A_78, %dma_start3A_79] : memref<32x80x128xi32, #tpu.memory_space<hbm>> -> memref<1x80x128xi32, #tpu.memory_space<hbm>>
    %dma_start3A_81 = tpu.memref_squeeze %dma_start3A_80 : memref<1x80x128xi32, #tpu.memory_space<hbm>> -> memref<80x128xi32, #tpu.memory_space<hbm>>
    %dma_start3A_82 = arith.constant 0 : i32
    %dma_start3A_83 = tpu.memref_slice %dma_start3A_81[%dma_start3A_77, %dma_start3A_82] : memref<80x128xi32, #tpu.memory_space<hbm>> -> memref<1x128xi32, #tpu.memory_space<hbm>>
    %dma_start3A_84 = tpu.memref_squeeze %dma_start3A_83 : memref<1x128xi32, #tpu.memory_space<hbm>> -> memref<128xi32, #tpu.memory_space<hbm>>
    %dma_start3A_85 = arith.constant 0 : i32
    %dma_start3A_86 = arith.constant 0 : i32
    %dma_start3A_87 = tpu.memref_slice %arg4[%add3A, %dma_start3A_85, %dma_start3A_86] : memref<32x80x128xi32, #tpu.memory_space<hbm>> -> memref<1x80x128xi32, #tpu.memory_space<hbm>>
    %dma_start3A_88 = tpu.memref_squeeze %dma_start3A_87 : memref<1x80x128xi32, #tpu.memory_space<hbm>> -> memref<80x128xi32, #tpu.memory_space<hbm>>
    %dma_start3A_89 = arith.constant 0 : i32
    %dma_start3A_90 = tpu.memref_slice %dma_start3A_88[%dma_start3A_77, %dma_start3A_89] : memref<80x128xi32, #tpu.memory_space<hbm>> -> memref<1x128xi32, #tpu.memory_space<hbm>>
    %dma_start3A_91 = tpu.memref_squeeze %dma_start3A_90 : memref<1x128xi32, #tpu.memory_space<hbm>> -> memref<128xi32, #tpu.memory_space<hbm>>
    tpu.enqueue_dma source(%dma_start3A_91 : memref<128xi32, #tpu.memory_space<hbm>>) target(%arg12 : memref<128xi32, #tpu.memory_space<vmem>>) target_semaphore(%arg22 : memref<!tpu.dma_semaphore, #tpu.memory_space<semaphore_mem>>)
    %dma_wait3A = arith.constant 0 : i32
    %dma_wait3A_92 = arith.constant 0 : i32
    %dma_wait3A_93 = arith.constant 0 : i32
    %dma_wait3A_94 = tpu.memref_slice %arg3[%add3A, %dma_wait3A_92, %dma_wait3A_93] : memref<32x80x128xi32, #tpu.memory_space<hbm>> -> memref<1x80x128xi32, #tpu.memory_space<hbm>>
    %dma_wait3A_95 = tpu.memref_squeeze %dma_wait3A_94 : memref<1x80x128xi32, #tpu.memory_space<hbm>> -> memref<80x128xi32, #tpu.memory_space<hbm>>
    %dma_wait3A_96 = arith.constant 0 : i32
    %dma_wait3A_97 = tpu.memref_slice %dma_wait3A_95[%dma_wait3A, %dma_wait3A_96] : memref<80x128xi32, #tpu.memory_space<hbm>> -> memref<1x128xi32, #tpu.memory_space<hbm>>
    %dma_wait3A_98 = tpu.memref_squeeze %dma_wait3A_97 : memref<1x128xi32, #tpu.memory_space<hbm>> -> memref<128xi32, #tpu.memory_space<hbm>>
    %dma_wait3A_99 = arith.constant 0 : i32
    %dma_wait3A_100 = arith.constant 0 : i32
    %dma_wait3A_101 = tpu.memref_slice %arg3[%add3A, %dma_wait3A_99, %dma_wait3A_100] : memref<32x80x128xi32, #tpu.memory_space<hbm>> -> memref<1x80x128xi32, #tpu.memory_space<hbm>>
    %dma_wait3A_102 = tpu.memref_squeeze %dma_wait3A_101 : memref<1x80x128xi32, #tpu.memory_space<hbm>> -> memref<80x128xi32, #tpu.memory_space<hbm>>
    %dma_wait3A_103 = arith.constant 0 : i32
    %dma_wait3A_104 = tpu.memref_slice %dma_wait3A_102[%dma_wait3A, %dma_wait3A_103] : memref<80x128xi32, #tpu.memory_space<hbm>> -> memref<1x128xi32, #tpu.memory_space<hbm>>
    %dma_wait3A_105 = tpu.memref_squeeze %dma_wait3A_104 : memref<1x128xi32, #tpu.memory_space<hbm>> -> memref<128xi32, #tpu.memory_space<hbm>>
    tpu.wait_dma2 semaphore(%arg20 : memref<!tpu.dma_semaphore, #tpu.memory_space<semaphore_mem>>) src(%dma_wait3A_105 : memref<128xi32, #tpu.memory_space<hbm>>) dst(%arg7 : memref<128xi32, #tpu.memory_space<vmem>>)
    %dma_wait3A_106 = arith.constant 0 : i32
    %dma_wait3A_107 = arith.constant 0 : i32
    %dma_wait3A_108 = arith.constant 0 : i32
    %dma_wait3A_109 = tpu.memref_slice %arg4[%add3A, %dma_wait3A_107, %dma_wait3A_108] : memref<32x80x128xi32, #tpu.memory_space<hbm>> -> memref<1x80x128xi32, #tpu.memory_space<hbm>>
    %dma_wait3A_110 = tpu.memref_squeeze %dma_wait3A_109 : memref<1x80x128xi32, #tpu.memory_space<hbm>> -> memref<80x128xi32, #tpu.memory_space<hbm>>
    %dma_wait3A_111 = arith.constant 0 : i32
    %dma_wait3A_112 = tpu.memref_slice %dma_wait3A_110[%dma_wait3A_106, %dma_wait3A_111] : memref<80x128xi32, #tpu.memory_space<hbm>> -> memref<1x128xi32, #tpu.memory_space<hbm>>
    %dma_wait3A_113 = tpu.memref_squeeze %dma_wait3A_112 : memref<1x128xi32, #tpu.memory_space<hbm>> -> memref<128xi32, #tpu.memory_space<hbm>>
    %dma_wait3A_114 = arith.constant 0 : i32
    %dma_wait3A_115 = arith.constant 0 : i32
    %dma_wait3A_116 = tpu.memref_slice %arg4[%add3A, %dma_wait3A_114, %dma_wait3A_115] : memref<32x80x128xi32, #tpu.memory_space<hbm>> -> memref<1x80x128xi32, #tpu.memory_space<hbm>>
    %dma_wait3A_117 = tpu.memref_squeeze %dma_wait3A_116 : memref<1x80x128xi32, #tpu.memory_space<hbm>> -> memref<80x128xi32, #tpu.memory_space<hbm>>
    %dma_wait3A_118 = arith.constant 0 : i32
    %dma_wait3A_119 = tpu.memref_slice %dma_wait3A_117[%dma_wait3A_106, %dma_wait3A_118] : memref<80x128xi32, #tpu.memory_space<hbm>> -> memref<1x128xi32, #tpu.memory_space<hbm>>
    %dma_wait3A_120 = tpu.memref_squeeze %dma_wait3A_119 : memref<1x128xi32, #tpu.memory_space<hbm>> -> memref<128xi32, #tpu.memory_space<hbm>>
    tpu.wait_dma2 semaphore(%arg20 : memref<!tpu.dma_semaphore, #tpu.memory_space<semaphore_mem>>) src(%dma_wait3A_120 : memref<128xi32, #tpu.memory_space<hbm>>) dst(%arg10 : memref<128xi32, #tpu.memory_space<vmem>>)
    %dma_start3A_121 = arith.constant 0 : i32
    %dma_start3A_122 = arith.constant 0 : i32
    %dma_start3A_123 = tpu.memref_slice %arg2[%dma_start3A_121, %dma_start3A_122] : memref<10000x128xf32, #tpu.memory_space<hbm>> -> memref<10000x128xf32, #tpu.memory_space<hbm>>
    tpu.enqueue_indirect_dma source(%dma_start3A_123 : memref<10000x128xf32, #tpu.memory_space<hbm>>) target(%arg13 : memref<128x128xf32, #tpu.memory_space<vmem>>) offsets(%arg7 : memref<128xi32, #tpu.memory_space<vmem>>) semaphore(%arg17 : memref<!tpu.dma_semaphore, #tpu.memory_space<semaphore_mem>>)
    %dma_wait3A_124 = arith.constant 1 : i32
    %dma_wait3A_125 = arith.constant 0 : i32
    %dma_wait3A_126 = arith.constant 0 : i32
    %dma_wait3A_127 = tpu.memref_slice %arg3[%add3A, %dma_wait3A_125, %dma_wait3A_126] : memref<32x80x128xi32, #tpu.memory_space<hbm>> -> memref<1x80x128xi32, #tpu.memory_space<hbm>>
    %dma_wait3A_128 = tpu.memref_squeeze %dma_wait3A_127 : memref<1x80x128xi32, #tpu.memory_space<hbm>> -> memref<80x128xi32, #tpu.memory_space<hbm>>
    %dma_wait3A_129 = arith.constant 0 : i32
    %dma_wait3A_130 = tpu.memref_slice %dma_wait3A_128[%dma_wait3A_124, %dma_wait3A_129] : memref<80x128xi32, #tpu.memory_space<hbm>> -> memref<1x128xi32, #tpu.memory_space<hbm>>
    %dma_wait3A_131 = tpu.memref_squeeze %dma_wait3A_130 : memref<1x128xi32, #tpu.memory_space<hbm>> -> memref<128xi32, #tpu.memory_space<hbm>>
    %dma_wait3A_132 = arith.constant 0 : i32
    %dma_wait3A_133 = arith.constant 0 : i32
    %dma_wait3A_134 = tpu.memref_slice %arg3[%add3A, %dma_wait3A_132, %dma_wait3A_133] : memref<32x80x128xi32, #tpu.memory_space<hbm>> -> memref<1x80x128xi32, #tpu.memory_space<hbm>>
    %dma_wait3A_135 = tpu.memref_squeeze %dma_wait3A_134 : memref<1x80x128xi32, #tpu.memory_space<hbm>> -> memref<80x128xi32, #tpu.memory_space<hbm>>
    %dma_wait3A_136 = arith.constant 0 : i32
    %dma_wait3A_137 = tpu.memref_slice %dma_wait3A_135[%dma_wait3A_124, %dma_wait3A_136] : memref<80x128xi32, #tpu.memory_space<hbm>> -> memref<1x128xi32, #tpu.memory_space<hbm>>
    %dma_wait3A_138 = tpu.memref_squeeze %dma_wait3A_137 : memref<1x128xi32, #tpu.memory_space<hbm>> -> memref<128xi32, #tpu.memory_space<hbm>>
    tpu.wait_dma2 semaphore(%arg21 : memref<!tpu.dma_semaphore, #tpu.memory_space<semaphore_mem>>) src(%dma_wait3A_138 : memref<128xi32, #tpu.memory_space<hbm>>) dst(%arg8 : memref<128xi32, #tpu.memory_space<vmem>>)
    %dma_wait3A_139 = arith.constant 1 : i32
    %dma_wait3A_140 = arith.constant 0 : i32
    %dma_wait3A_141 = arith.constant 0 : i32
    %dma_wait3A_142 = tpu.memref_slice %arg4[%add3A, %dma_wait3A_140, %dma_wait3A_141] : memref<32x80x128xi32, #tpu.memory_space<hbm>> -> memref<1x80x128xi32, #tpu.memory_space<hbm>>
    %dma_wait3A_143 = tpu.memref_squeeze %dma_wait3A_142 : memref<1x80x128xi32, #tpu.memory_space<hbm>> -> memref<80x128xi32, #tpu.memory_space<hbm>>
    %dma_wait3A_144 = arith.constant 0 : i32
    %dma_wait3A_145 = tpu.memref_slice %dma_wait3A_143[%dma_wait3A_139, %dma_wait3A_144] : memref<80x128xi32, #tpu.memory_space<hbm>> -> memref<1x128xi32, #tpu.memory_space<hbm>>
    %dma_wait3A_146 = tpu.memref_squeeze %dma_wait3A_145 : memref<1x128xi32, #tpu.memory_space<hbm>> -> memref<128xi32, #tpu.memory_space<hbm>>
    %dma_wait3A_147 = arith.constant 0 : i32
    %dma_wait3A_148 = arith.constant 0 : i32
    %dma_wait3A_149 = tpu.memref_slice %arg4[%add3A, %dma_wait3A_147, %dma_wait3A_148] : memref<32x80x128xi32, #tpu.memory_space<hbm>> -> memref<1x80x128xi32, #tpu.memory_space<hbm>>
    %dma_wait3A_150 = tpu.memref_squeeze %dma_wait3A_149 : memref<1x80x128xi32, #tpu.memory_space<hbm>> -> memref<80x128xi32, #tpu.memory_space<hbm>>
    %dma_wait3A_151 = arith.constant 0 : i32
    %dma_wait3A_152 = tpu.memref_slice %dma_wait3A_150[%dma_wait3A_139, %dma_wait3A_151] : memref<80x128xi32, #tpu.memory_space<hbm>> -> memref<1x128xi32, #tpu.memory_space<hbm>>
    %dma_wait3A_153 = tpu.memref_squeeze %dma_wait3A_152 : memref<1x128xi32, #tpu.memory_space<hbm>> -> memref<128xi32, #tpu.memory_space<hbm>>
    tpu.wait_dma2 semaphore(%arg21 : memref<!tpu.dma_semaphore, #tpu.memory_space<semaphore_mem>>) src(%dma_wait3A_153 : memref<128xi32, #tpu.memory_space<hbm>>) dst(%arg11 : memref<128xi32, #tpu.memory_space<vmem>>)
    %dma_start3A_154 = arith.constant 0 : i32
    %dma_start3A_155 = arith.constant 0 : i32
    %dma_start3A_156 = tpu.memref_slice %arg2[%dma_start3A_154, %dma_start3A_155] : memref<10000x128xf32, #tpu.memory_space<hbm>> -> memref<10000x128xf32, #tpu.memory_space<hbm>>
    tpu.enqueue_indirect_dma source(%dma_start3A_156 : memref<10000x128xf32, #tpu.memory_space<hbm>>) target(%arg14 : memref<128x128xf32, #tpu.memory_space<vmem>>) offsets(%arg8 : memref<128xi32, #tpu.memory_space<vmem>>) semaphore(%arg18 : memref<!tpu.dma_semaphore, #tpu.memory_space<semaphore_mem>>)
    %scan3A = arith.constant 0 : i32
    %scan3A_157 = arith.constant 0 : i32
    %scan3A_158 = arith.constant 25 : i32
    %scan3A_159 = arith.addi %scan3A_157, %scan3A_158 : i32
    %scan3A_160 = arith.constant 1 : i32
    scf.for %scan3A_337 = %scan3A_157 to %scan3A_159 step %scan3A_160  : i32 {
      %mul3A_338 = arith.constant 3 : i32
      %mul3A_339 = arith.muli %scan3A_337, %mul3A_338 : i32
      %add3A_340 = arith.constant 0 : i32
      %add3A_341 = arith.addi %mul3A_339, %add3A_340 : i32
      %add3A_342 = arith.constant 2 : i32
      %add3A_343 = arith.addi %add3A_341, %add3A_342 : i32
      %dma_wait3A_344 = arith.constant 0 : i32
      %dma_wait3A_345 = arith.constant 0 : i32
      %dma_wait3A_346 = tpu.memref_slice %arg3[%add3A, %dma_wait3A_344, %dma_wait3A_345] : memref<32x80x128xi32, #tpu.memory_space<hbm>> -> memref<1x80x128xi32, #tpu.memory_space<hbm>>
      %dma_wait3A_347 = tpu.memref_squeeze %dma_wait3A_346 : memref<1x80x128xi32, #tpu.memory_space<hbm>> -> memref<80x128xi32, #tpu.memory_space<hbm>>
      %dma_wait3A_348 = arith.constant 0 : i32
      %dma_wait3A_349 = tpu.memref_slice %dma_wait3A_347[%add3A_343, %dma_wait3A_348] : memref<80x128xi32, #tpu.memory_space<hbm>> -> memref<1x128xi32, #tpu.memory_space<hbm>>
      %dma_wait3A_350 = tpu.memref_squeeze %dma_wait3A_349 : memref<1x128xi32, #tpu.memory_space<hbm>> -> memref<128xi32, #tpu.memory_space<hbm>>
      %dma_wait3A_351 = arith.constant 0 : i32
      %dma_wait3A_352 = arith.constant 0 : i32
      %dma_wait3A_353 = tpu.memref_slice %arg3[%add3A, %dma_wait3A_351, %dma_wait3A_352] : memref<32x80x128xi32, #tpu.memory_space<hbm>> -> memref<1x80x128xi32, #tpu.memory_space<hbm>>
      %dma_wait3A_354 = tpu.memref_squeeze %dma_wait3A_353 : memref<1x80x128xi32, #tpu.memory_space<hbm>> -> memref<80x128xi32, #tpu.memory_space<hbm>>
      %dma_wait3A_355 = arith.constant 0 : i32
      %dma_wait3A_356 = tpu.memref_slice %dma_wait3A_354[%add3A_343, %dma_wait3A_355] : memref<80x128xi32, #tpu.memory_space<hbm>> -> memref<1x128xi32, #tpu.memory_space<hbm>>
      %dma_wait3A_357 = tpu.memref_squeeze %dma_wait3A_356 : memref<1x128xi32, #tpu.memory_space<hbm>> -> memref<128xi32, #tpu.memory_space<hbm>>
      tpu.wait_dma2 semaphore(%arg22 : memref<!tpu.dma_semaphore, #tpu.memory_space<semaphore_mem>>) src(%dma_wait3A_357 : memref<128xi32, #tpu.memory_space<hbm>>) dst(%arg9 : memref<128xi32, #tpu.memory_space<vmem>>)
      %dma_wait3A_358 = arith.constant 0 : i32
      %dma_wait3A_359 = arith.constant 0 : i32
      %dma_wait3A_360 = tpu.memref_slice %arg4[%add3A, %dma_wait3A_358, %dma_wait3A_359] : memref<32x80x128xi32, #tpu.memory_space<hbm>> -> memref<1x80x128xi32, #tpu.memory_space<hbm>>
      %dma_wait3A_361 = tpu.memref_squeeze %dma_wait3A_360 : memref<1x80x128xi32, #tpu.memory_space<hbm>> -> memref<80x128xi32, #tpu.memory_space<hbm>>
      %dma_wait3A_362 = arith.constant 0 : i32
      %dma_wait3A_363 = tpu.memref_slice %dma_wait3A_361[%add3A_343, %dma_wait3A_362] : memref<80x128xi32, #tpu.memory_space<hbm>> -> memref<1x128xi32, #tpu.memory_space<hbm>>
      %dma_wait3A_364 = tpu.memref_squeeze %dma_wait3A_363 : memref<1x128xi32, #tpu.memory_space<hbm>> -> memref<128xi32, #tpu.memory_space<hbm>>
      %dma_wait3A_365 = arith.constant 0 : i32
      %dma_wait3A_366 = arith.constant 0 : i32
      %dma_wait3A_367 = tpu.memref_slice %arg4[%add3A, %dma_wait3A_365, %dma_wait3A_366] : memref<32x80x128xi32, #tpu.memory_space<hbm>> -> memref<1x80x128xi32, #tpu.memory_space<hbm>>
      %dma_wait3A_368 = tpu.memref_squeeze %dma_wait3A_367 : memref<1x80x128xi32, #tpu.memory_space<hbm>> -> memref<80x128xi32, #tpu.memory_space<hbm>>
      %dma_wait3A_369 = arith.constant 0 : i32
      %dma_wait3A_370 = tpu.memref_slice %dma_wait3A_368[%add3A_343, %dma_wait3A_369] : memref<80x128xi32, #tpu.memory_space<hbm>> -> memref<1x128xi32, #tpu.memory_space<hbm>>
      %dma_wait3A_371 = tpu.memref_squeeze %dma_wait3A_370 : memref<1x128xi32, #tpu.memory_space<hbm>> -> memref<128xi32, #tpu.memory_space<hbm>>
      tpu.wait_dma2 semaphore(%arg22 : memref<!tpu.dma_semaphore, #tpu.memory_space<semaphore_mem>>) src(%dma_wait3A_371 : memref<128xi32, #tpu.memory_space<hbm>>) dst(%arg12 : memref<128xi32, #tpu.memory_space<vmem>>)
      %dma_start3A_372 = arith.constant 0 : i32
      %dma_start3A_373 = arith.constant 0 : i32
      %dma_start3A_374 = tpu.memref_slice %arg2[%dma_start3A_372, %dma_start3A_373] : memref<10000x128xf32, #tpu.memory_space<hbm>> -> memref<10000x128xf32, #tpu.memory_space<hbm>>
      tpu.enqueue_indirect_dma source(%dma_start3A_374 : memref<10000x128xf32, #tpu.memory_space<hbm>>) target(%arg15 : memref<128x128xf32, #tpu.memory_space<vmem>>) offsets(%arg9 : memref<128xi32, #tpu.memory_space<vmem>>) semaphore(%arg19 : memref<!tpu.dma_semaphore, #tpu.memory_space<semaphore_mem>>)
      %dma_wait3A_375 = arith.constant 0 : i32
      %dma_wait3A_376 = arith.constant 0 : i32
      %dma_wait3A_377 = tpu.memref_slice %arg2[%dma_wait3A_375, %dma_wait3A_376] : memref<10000x128xf32, #tpu.memory_space<hbm>> -> memref<10000x128xf32, #tpu.memory_space<hbm>>
      tpu.wait_indirect_dma semaphore(%arg17 : memref<!tpu.dma_semaphore, #tpu.memory_space<semaphore_mem>>) src(%dma_wait3A_377 : memref<10000x128xf32, #tpu.memory_space<hbm>>) dst(%arg13 : memref<128x128xf32, #tpu.memory_space<vmem>>)
      "tpu.region"() ({
        %run_scoped3A = tpu.sem_alloc : memref<!tpu.dma_semaphore, #tpu.memory_space<semaphore_mem>>
        %dma_start3A_544 = arith.constant 0 : i32
        %dma_start3A_545 = arith.constant 0 : i32
        %dma_start3A_546 = tpu.memref_slice %arg16[%dma_start3A_544, %dma_start3A_545] : memref<10112x128xf32, #tpu.memory_space<vmem_shared>> -> memref<10112x128xf32, #tpu.memory_space<vmem_shared>>
        tpu.enqueue_indirect_dma source(%arg13 : memref<128x128xf32, #tpu.memory_space<vmem>>) target(%dma_start3A_546 : memref<10112x128xf32, #tpu.memory_space<vmem_shared>>) offsets(%arg10 : memref<128xi32, #tpu.memory_space<vmem>>) semaphore(%run_scoped3A : memref<!tpu.dma_semaphore, #tpu.memory_space<semaphore_mem>>) {add = true}
        %dma_wait3A_547 = arith.constant 0 : i32
        %dma_wait3A_548 = arith.constant 0 : i32
        %dma_wait3A_549 = tpu.memref_slice %arg16[%dma_wait3A_547, %dma_wait3A_548] : memref<10112x128xf32, #tpu.memory_space<vmem_shared>> -> memref<10112x128xf32, #tpu.memory_space<vmem_shared>>
        tpu.wait_indirect_dma semaphore(%run_scoped3A : memref<!tpu.dma_semaphore, #tpu.memory_space<semaphore_mem>>) src(%arg13 : memref<128x128xf32, #tpu.memory_space<vmem>>) dst(%dma_wait3A_549 : memref<10112x128xf32, #tpu.memory_space<vmem_shared>>)
        tpu.yield
      }) : () -> ()
      %add3A_378 = arith.constant 3 : i32
      %add3A_379 = arith.addi %add3A_341, %add3A_378 : i32
      %dma_start3A_380 = arith.constant 0 : i32
      %dma_start3A_381 = arith.constant 0 : i32
      %dma_start3A_382 = tpu.memref_slice %arg3[%add3A, %dma_start3A_380, %dma_start3A_381] : memref<32x80x128xi32, #tpu.memory_space<hbm>> -> memref<1x80x128xi32, #tpu.memory_space<hbm>>
      %dma_start3A_383 = tpu.memref_squeeze %dma_start3A_382 : memref<1x80x128xi32, #tpu.memory_space<hbm>> -> memref<80x128xi32, #tpu.memory_space<hbm>>
      %dma_start3A_384 = arith.constant 0 : i32
      %dma_start3A_385 = tpu.memref_slice %dma_start3A_383[%add3A_379, %dma_start3A_384] : memref<80x128xi32, #tpu.memory_space<hbm>> -> memref<1x128xi32, #tpu.memory_space<hbm>>
      %dma_start3A_386 = tpu.memref_squeeze %dma_start3A_385 : memref<1x128xi32, #tpu.memory_space<hbm>> -> memref<128xi32, #tpu.memory_space<hbm>>
      %dma_start3A_387 = arith.constant 0 : i32
      %dma_start3A_388 = arith.constant 0 : i32
      %dma_start3A_389 = tpu.memref_slice %arg3[%add3A, %dma_start3A_387, %dma_start3A_388] : memref<32x80x128xi32, #tpu.memory_space<hbm>> -> memref<1x80x128xi32, #tpu.memory_space<hbm>>
      %dma_start3A_390 = tpu.memref_squeeze %dma_start3A_389 : memref<1x80x128xi32, #tpu.memory_space<hbm>> -> memref<80x128xi32, #tpu.memory_space<hbm>>
      %dma_start3A_391 = arith.constant 0 : i32
      %dma_start3A_392 = tpu.memref_slice %dma_start3A_390[%add3A_379, %dma_start3A_391] : memref<80x128xi32, #tpu.memory_space<hbm>> -> memref<1x128xi32, #tpu.memory_space<hbm>>
      %dma_start3A_393 = tpu.memref_squeeze %dma_start3A_392 : memref<1x128xi32, #tpu.memory_space<hbm>> -> memref<128xi32, #tpu.memory_space<hbm>>
      tpu.enqueue_dma source(%dma_start3A_393 : memref<128xi32, #tpu.memory_space<hbm>>) target(%arg7 : memref<128xi32, #tpu.memory_space<vmem>>) target_semaphore(%arg20 : memref<!tpu.dma_semaphore, #tpu.memory_space<semaphore_mem>>)
      %dma_start3A_394 = arith.constant 0 : i32
      %dma_start3A_395 = arith.constant 0 : i32
      %dma_start3A_396 = tpu.memref_slice %arg4[%add3A, %dma_start3A_394, %dma_start3A_395] : memref<32x80x128xi32, #tpu.memory_space<hbm>> -> memref<1x80x128xi32, #tpu.memory_space<hbm>>
      %dma_start3A_397 = tpu.memref_squeeze %dma_start3A_396 : memref<1x80x128xi32, #tpu.memory_space<hbm>> -> memref<80x128xi32, #tpu.memory_space<hbm>>
      %dma_start3A_398 = arith.constant 0 : i32
      %dma_start3A_399 = tpu.memref_slice %dma_start3A_397[%add3A_379, %dma_start3A_398] : memref<80x128xi32, #tpu.memory_space<hbm>> -> memref<1x128xi32, #tpu.memory_space<hbm>>
      %dma_start3A_400 = tpu.memref_squeeze %dma_start3A_399 : memref<1x128xi32, #tpu.memory_space<hbm>> -> memref<128xi32, #tpu.memory_space<hbm>>
      %dma_start3A_401 = arith.constant 0 : i32
      %dma_start3A_402 = arith.constant 0 : i32
      %dma_start3A_403 = tpu.memref_slice %arg4[%add3A, %dma_start3A_401, %dma_start3A_402] : memref<32x80x128xi32, #tpu.memory_space<hbm>> -> memref<1x80x128xi32, #tpu.memory_space<hbm>>
      %dma_start3A_404 = tpu.memref_squeeze %dma_start3A_403 : memref<1x80x128xi32, #tpu.memory_space<hbm>> -> memref<80x128xi32, #tpu.memory_space<hbm>>
      %dma_start3A_405 = arith.constant 0 : i32
      %dma_start3A_406 = tpu.memref_slice %dma_start3A_404[%add3A_379, %dma_start3A_405] : memref<80x128xi32, #tpu.memory_space<hbm>> -> memref<1x128xi32, #tpu.memory_space<hbm>>
      %dma_start3A_407 = tpu.memref_squeeze %dma_start3A_406 : memref<1x128xi32, #tpu.memory_space<hbm>> -> memref<128xi32, #tpu.memory_space<hbm>>
      tpu.enqueue_dma source(%dma_start3A_407 : memref<128xi32, #tpu.memory_space<hbm>>) target(%arg10 : memref<128xi32, #tpu.memory_space<vmem>>) target_semaphore(%arg20 : memref<!tpu.dma_semaphore, #tpu.memory_space<semaphore_mem>>)
      %add3A_408 = arith.constant 1 : i32
      %add3A_409 = arith.addi %mul3A_339, %add3A_408 : i32
      %add3A_410 = arith.constant 2 : i32
      %add3A_411 = arith.addi %add3A_409, %add3A_410 : i32
      %dma_wait3A_412 = arith.constant 0 : i32
      %dma_wait3A_413 = arith.constant 0 : i32
      %dma_wait3A_414 = tpu.memref_slice %arg3[%add3A, %dma_wait3A_412, %dma_wait3A_413] : memref<32x80x128xi32, #tpu.memory_space<hbm>> -> memref<1x80x128xi32, #tpu.memory_space<hbm>>
      %dma_wait3A_415 = tpu.memref_squeeze %dma_wait3A_414 : memref<1x80x128xi32, #tpu.memory_space<hbm>> -> memref<80x128xi32, #tpu.memory_space<hbm>>
      %dma_wait3A_416 = arith.constant 0 : i32
      %dma_wait3A_417 = tpu.memref_slice %dma_wait3A_415[%add3A_411, %dma_wait3A_416] : memref<80x128xi32, #tpu.memory_space<hbm>> -> memref<1x128xi32, #tpu.memory_space<hbm>>
      %dma_wait3A_418 = tpu.memref_squeeze %dma_wait3A_417 : memref<1x128xi32, #tpu.memory_space<hbm>> -> memref<128xi32, #tpu.memory_space<hbm>>
      %dma_wait3A_419 = arith.constant 0 : i32
      %dma_wait3A_420 = arith.constant 0 : i32
      %dma_wait3A_421 = tpu.memref_slice %arg3[%add3A, %dma_wait3A_419, %dma_wait3A_420] : memref<32x80x128xi32, #tpu.memory_space<hbm>> -> memref<1x80x128xi32, #tpu.memory_space<hbm>>
      %dma_wait3A_422 = tpu.memref_squeeze %dma_wait3A_421 : memref<1x80x128xi32, #tpu.memory_space<hbm>> -> memref<80x128xi32, #tpu.memory_space<hbm>>
      %dma_wait3A_423 = arith.constant 0 : i32
      %dma_wait3A_424 = tpu.memref_slice %dma_wait3A_422[%add3A_411, %dma_wait3A_423] : memref<80x128xi32, #tpu.memory_space<hbm>> -> memref<1x128xi32, #tpu.memory_space<hbm>>
      %dma_wait3A_425 = tpu.memref_squeeze %dma_wait3A_424 : memref<1x128xi32, #tpu.memory_space<hbm>> -> memref<128xi32, #tpu.memory_space<hbm>>
      tpu.wait_dma2 semaphore(%arg20 : memref<!tpu.dma_semaphore, #tpu.memory_space<semaphore_mem>>) src(%dma_wait3A_425 : memref<128xi32, #tpu.memory_space<hbm>>) dst(%arg7 : memref<128xi32, #tpu.memory_space<vmem>>)
      %dma_wait3A_426 = arith.constant 0 : i32
      %dma_wait3A_427 = arith.constant 0 : i32
      %dma_wait3A_428 = tpu.memref_slice %arg4[%add3A, %dma_wait3A_426, %dma_wait3A_427] : memref<32x80x128xi32, #tpu.memory_space<hbm>> -> memref<1x80x128xi32, #tpu.memory_space<hbm>>
      %dma_wait3A_429 = tpu.memref_squeeze %dma_wait3A_428 : memref<1x80x128xi32, #tpu.memory_space<hbm>> -> memref<80x128xi32, #tpu.memory_space<hbm>>
      %dma_wait3A_430 = arith.constant 0 : i32
      %dma_wait3A_431 = tpu.memref_slice %dma_wait3A_429[%add3A_411, %dma_wait3A_430] : memref<80x128xi32, #tpu.memory_space<hbm>> -> memref<1x128xi32, #tpu.memory_space<hbm>>
      %dma_wait3A_432 = tpu.memref_squeeze %dma_wait3A_431 : memref<1x128xi32, #tpu.memory_space<hbm>> -> memref<128xi32, #tpu.memory_space<hbm>>
      %dma_wait3A_433 = arith.constant 0 : i32
      %dma_wait3A_434 = arith.constant 0 : i32
      %dma_wait3A_435 = tpu.memref_slice %arg4[%add3A, %dma_wait3A_433, %dma_wait3A_434] : memref<32x80x128xi32, #tpu.memory_space<hbm>> -> memref<1x80x128xi32, #tpu.memory_space<hbm>>
      %dma_wait3A_436 = tpu.memref_squeeze %dma_wait3A_435 : memref<1x80x128xi32, #tpu.memory_space<hbm>> -> memref<80x128xi32, #tpu.memory_space<hbm>>
      %dma_wait3A_437 = arith.constant 0 : i32
      %dma_wait3A_438 = tpu.memref_slice %dma_wait3A_436[%add3A_411, %dma_wait3A_437] : memref<80x128xi32, #tpu.memory_space<hbm>> -> memref<1x128xi32, #tpu.memory_space<hbm>>
      %dma_wait3A_439 = tpu.memref_squeeze %dma_wait3A_438 : memref<1x128xi32, #tpu.memory_space<hbm>> -> memref<128xi32, #tpu.memory_space<hbm>>
      tpu.wait_dma2 semaphore(%arg20 : memref<!tpu.dma_semaphore, #tpu.memory_space<semaphore_mem>>) src(%dma_wait3A_439 : memref<128xi32, #tpu.memory_space<hbm>>) dst(%arg10 : memref<128xi32, #tpu.memory_space<vmem>>)
      %dma_start3A_440 = arith.constant 0 : i32
      %dma_start3A_441 = arith.constant 0 : i32
      %dma_start3A_442 = tpu.memref_slice %arg2[%dma_start3A_440, %dma_start3A_441] : memref<10000x128xf32, #tpu.memory_space<hbm>> -> memref<10000x128xf32, #tpu.memory_space<hbm>>
      tpu.enqueue_indirect_dma source(%dma_start3A_442 : memref<10000x128xf32, #tpu.memory_space<hbm>>) target(%arg13 : memref<128x128xf32, #tpu.memory_space<vmem>>) offsets(%arg7 : memref<128xi32, #tpu.memory_space<vmem>>) semaphore(%arg17 : memref<!tpu.dma_semaphore, #tpu.memory_space<semaphore_mem>>)
      %dma_wait3A_443 = arith.constant 0 : i32
      %dma_wait3A_444 = arith.constant 0 : i32
      %dma_wait3A_445 = tpu.memref_slice %arg2[%dma_wait3A_443, %dma_wait3A_444] : memref<10000x128xf32, #tpu.memory_space<hbm>> -> memref<10000x128xf32, #tpu.memory_space<hbm>>
      tpu.wait_indirect_dma semaphore(%arg18 : memref<!tpu.dma_semaphore, #tpu.memory_space<semaphore_mem>>) src(%dma_wait3A_445 : memref<10000x128xf32, #tpu.memory_space<hbm>>) dst(%arg14 : memref<128x128xf32, #tpu.memory_space<vmem>>)
      "tpu.region"() ({
        %run_scoped3A = tpu.sem_alloc : memref<!tpu.dma_semaphore, #tpu.memory_space<semaphore_mem>>
        %dma_start3A_544 = arith.constant 0 : i32
        %dma_start3A_545 = arith.constant 0 : i32
        %dma_start3A_546 = tpu.memref_slice %arg16[%dma_start3A_544, %dma_start3A_545] : memref<10112x128xf32, #tpu.memory_space<vmem_shared>> -> memref<10112x128xf32, #tpu.memory_space<vmem_shared>>
        tpu.enqueue_indirect_dma source(%arg14 : memref<128x128xf32, #tpu.memory_space<vmem>>) target(%dma_start3A_546 : memref<10112x128xf32, #tpu.memory_space<vmem_shared>>) offsets(%arg11 : memref<128xi32, #tpu.memory_space<vmem>>) semaphore(%run_scoped3A : memref<!tpu.dma_semaphore, #tpu.memory_space<semaphore_mem>>) {add = true}
        %dma_wait3A_547 = arith.constant 0 : i32
        %dma_wait3A_548 = arith.constant 0 : i32
        %dma_wait3A_549 = tpu.memref_slice %arg16[%dma_wait3A_547, %dma_wait3A_548] : memref<10112x128xf32, #tpu.memory_space<vmem_shared>> -> memref<10112x128xf32, #tpu.memory_space<vmem_shared>>
        tpu.wait_indirect_dma semaphore(%run_scoped3A : memref<!tpu.dma_semaphore, #tpu.memory_space<semaphore_mem>>) src(%arg14 : memref<128x128xf32, #tpu.memory_space<vmem>>) dst(%dma_wait3A_549 : memref<10112x128xf32, #tpu.memory_space<vmem_shared>>)
        tpu.yield
      }) : () -> ()
      %add3A_446 = arith.constant 3 : i32
      %add3A_447 = arith.addi %add3A_409, %add3A_446 : i32
      %dma_start3A_448 = arith.constant 0 : i32
      %dma_start3A_449 = arith.constant 0 : i32
      %dma_start3A_450 = tpu.memref_slice %arg3[%add3A, %dma_start3A_448, %dma_start3A_449] : memref<32x80x128xi32, #tpu.memory_space<hbm>> -> memref<1x80x128xi32, #tpu.memory_space<hbm>>
      %dma_start3A_451 = tpu.memref_squeeze %dma_start3A_450 : memref<1x80x128xi32, #tpu.memory_space<hbm>> -> memref<80x128xi32, #tpu.memory_space<hbm>>
      %dma_start3A_452 = arith.constant 0 : i32
      %dma_start3A_453 = tpu.memref_slice %dma_start3A_451[%add3A_447, %dma_start3A_452] : memref<80x128xi32, #tpu.memory_space<hbm>> -> memref<1x128xi32, #tpu.memory_space<hbm>>
      %dma_start3A_454 = tpu.memref_squeeze %dma_start3A_453 : memref<1x128xi32, #tpu.memory_space<hbm>> -> memref<128xi32, #tpu.memory_space<hbm>>
      %dma_start3A_455 = arith.constant 0 : i32
      %dma_start3A_456 = arith.constant 0 : i32
      %dma_start3A_457 = tpu.memref_slice %arg3[%add3A, %dma_start3A_455, %dma_start3A_456] : memref<32x80x128xi32, #tpu.memory_space<hbm>> -> memref<1x80x128xi32, #tpu.memory_space<hbm>>
      %dma_start3A_458 = tpu.memref_squeeze %dma_start3A_457 : memref<1x80x128xi32, #tpu.memory_space<hbm>> -> memref<80x128xi32, #tpu.memory_space<hbm>>
      %dma_start3A_459 = arith.constant 0 : i32
      %dma_start3A_460 = tpu.memref_slice %dma_start3A_458[%add3A_447, %dma_start3A_459] : memref<80x128xi32, #tpu.memory_space<hbm>> -> memref<1x128xi32, #tpu.memory_space<hbm>>
      %dma_start3A_461 = tpu.memref_squeeze %dma_start3A_460 : memref<1x128xi32, #tpu.memory_space<hbm>> -> memref<128xi32, #tpu.memory_space<hbm>>
      tpu.enqueue_dma source(%dma_start3A_461 : memref<128xi32, #tpu.memory_space<hbm>>) target(%arg8 : memref<128xi32, #tpu.memory_space<vmem>>) target_semaphore(%arg21 : memref<!tpu.dma_semaphore, #tpu.memory_space<semaphore_mem>>)
      %dma_start3A_462 = arith.constant 0 : i32
      %dma_start3A_463 = arith.constant 0 : i32
      %dma_start3A_464 = tpu.memref_slice %arg4[%add3A, %dma_start3A_462, %dma_start3A_463] : memref<32x80x128xi32, #tpu.memory_space<hbm>> -> memref<1x80x128xi32, #tpu.memory_space<hbm>>
      %dma_start3A_465 = tpu.memref_squeeze %dma_start3A_464 : memref<1x80x128xi32, #tpu.memory_space<hbm>> -> memref<80x128xi32, #tpu.memory_space<hbm>>
      %dma_start3A_466 = arith.constant 0 : i32
      %dma_start3A_467 = tpu.memref_slice %dma_start3A_465[%add3A_447, %dma_start3A_466] : memref<80x128xi32, #tpu.memory_space<hbm>> -> memref<1x128xi32, #tpu.memory_space<hbm>>
      %dma_start3A_468 = tpu.memref_squeeze %dma_start3A_467 : memref<1x128xi32, #tpu.memory_space<hbm>> -> memref<128xi32, #tpu.memory_space<hbm>>
      %dma_start3A_469 = arith.constant 0 : i32
      %dma_start3A_470 = arith.constant 0 : i32
      %dma_start3A_471 = tpu.memref_slice %arg4[%add3A, %dma_start3A_469, %dma_start3A_470] : memref<32x80x128xi32, #tpu.memory_space<hbm>> -> memref<1x80x128xi32, #tpu.memory_space<hbm>>
      %dma_start3A_472 = tpu.memref_squeeze %dma_start3A_471 : memref<1x80x128xi32, #tpu.memory_space<hbm>> -> memref<80x128xi32, #tpu.memory_space<hbm>>
      %dma_start3A_473 = arith.constant 0 : i32
      %dma_start3A_474 = tpu.memref_slice %dma_start3A_472[%add3A_447, %dma_start3A_473] : memref<80x128xi32, #tpu.memory_space<hbm>> -> memref<1x128xi32, #tpu.memory_space<hbm>>
      %dma_start3A_475 = tpu.memref_squeeze %dma_start3A_474 : memref<1x128xi32, #tpu.memory_space<hbm>> -> memref<128xi32, #tpu.memory_space<hbm>>
      tpu.enqueue_dma source(%dma_start3A_475 : memref<128xi32, #tpu.memory_space<hbm>>) target(%arg11 : memref<128xi32, #tpu.memory_space<vmem>>) target_semaphore(%arg21 : memref<!tpu.dma_semaphore, #tpu.memory_space<semaphore_mem>>)
      %add3A_476 = arith.constant 2 : i32
      %add3A_477 = arith.addi %mul3A_339, %add3A_476 : i32
      %add3A_478 = arith.constant 2 : i32
      %add3A_479 = arith.addi %add3A_477, %add3A_478 : i32
      %dma_wait3A_480 = arith.constant 0 : i32
      %dma_wait3A_481 = arith.constant 0 : i32
      %dma_wait3A_482 = tpu.memref_slice %arg3[%add3A, %dma_wait3A_480, %dma_wait3A_481] : memref<32x80x128xi32, #tpu.memory_space<hbm>> -> memref<1x80x128xi32, #tpu.memory_space<hbm>>
      %dma_wait3A_483 = tpu.memref_squeeze %dma_wait3A_482 : memref<1x80x128xi32, #tpu.memory_space<hbm>> -> memref<80x128xi32, #tpu.memory_space<hbm>>
      %dma_wait3A_484 = arith.constant 0 : i32
      %dma_wait3A_485 = tpu.memref_slice %dma_wait3A_483[%add3A_479, %dma_wait3A_484] : memref<80x128xi32, #tpu.memory_space<hbm>> -> memref<1x128xi32, #tpu.memory_space<hbm>>
      %dma_wait3A_486 = tpu.memref_squeeze %dma_wait3A_485 : memref<1x128xi32, #tpu.memory_space<hbm>> -> memref<128xi32, #tpu.memory_space<hbm>>
      %dma_wait3A_487 = arith.constant 0 : i32
      %dma_wait3A_488 = arith.constant 0 : i32
      %dma_wait3A_489 = tpu.memref_slice %arg3[%add3A, %dma_wait3A_487, %dma_wait3A_488] : memref<32x80x128xi32, #tpu.memory_space<hbm>> -> memref<1x80x128xi32, #tpu.memory_space<hbm>>
      %dma_wait3A_490 = tpu.memref_squeeze %dma_wait3A_489 : memref<1x80x128xi32, #tpu.memory_space<hbm>> -> memref<80x128xi32, #tpu.memory_space<hbm>>
      %dma_wait3A_491 = arith.constant 0 : i32
      %dma_wait3A_492 = tpu.memref_slice %dma_wait3A_490[%add3A_479, %dma_wait3A_491] : memref<80x128xi32, #tpu.memory_space<hbm>> -> memref<1x128xi32, #tpu.memory_space<hbm>>
      %dma_wait3A_493 = tpu.memref_squeeze %dma_wait3A_492 : memref<1x128xi32, #tpu.memory_space<hbm>> -> memref<128xi32, #tpu.memory_space<hbm>>
      tpu.wait_dma2 semaphore(%arg21 : memref<!tpu.dma_semaphore, #tpu.memory_space<semaphore_mem>>) src(%dma_wait3A_493 : memref<128xi32, #tpu.memory_space<hbm>>) dst(%arg8 : memref<128xi32, #tpu.memory_space<vmem>>)
      %dma_wait3A_494 = arith.constant 0 : i32
      %dma_wait3A_495 = arith.constant 0 : i32
      %dma_wait3A_496 = tpu.memref_slice %arg4[%add3A, %dma_wait3A_494, %dma_wait3A_495] : memref<32x80x128xi32, #tpu.memory_space<hbm>> -> memref<1x80x128xi32, #tpu.memory_space<hbm>>
      %dma_wait3A_497 = tpu.memref_squeeze %dma_wait3A_496 : memref<1x80x128xi32, #tpu.memory_space<hbm>> -> memref<80x128xi32, #tpu.memory_space<hbm>>
      %dma_wait3A_498 = arith.constant 0 : i32
      %dma_wait3A_499 = tpu.memref_slice %dma_wait3A_497[%add3A_479, %dma_wait3A_498] : memref<80x128xi32, #tpu.memory_space<hbm>> -> memref<1x128xi32, #tpu.memory_space<hbm>>
      %dma_wait3A_500 = tpu.memref_squeeze %dma_wait3A_499 : memref<1x128xi32, #tpu.memory_space<hbm>> -> memref<128xi32, #tpu.memory_space<hbm>>
      %dma_wait3A_501 = arith.constant 0 : i32
      %dma_wait3A_502 = arith.constant 0 : i32
      %dma_wait3A_503 = tpu.memref_slice %arg4[%add3A, %dma_wait3A_501, %dma_wait3A_502] : memref<32x80x128xi32, #tpu.memory_space<hbm>> -> memref<1x80x128xi32, #tpu.memory_space<hbm>>
      %dma_wait3A_504 = tpu.memref_squeeze %dma_wait3A_503 : memref<1x80x128xi32, #tpu.memory_space<hbm>> -> memref<80x128xi32, #tpu.memory_space<hbm>>
      %dma_wait3A_505 = arith.constant 0 : i32
      %dma_wait3A_506 = tpu.memref_slice %dma_wait3A_504[%add3A_479, %dma_wait3A_505] : memref<80x128xi32, #tpu.memory_space<hbm>> -> memref<1x128xi32, #tpu.memory_space<hbm>>
      %dma_wait3A_507 = tpu.memref_squeeze %dma_wait3A_506 : memref<1x128xi32, #tpu.memory_space<hbm>> -> memref<128xi32, #tpu.memory_space<hbm>>
      tpu.wait_dma2 semaphore(%arg21 : memref<!tpu.dma_semaphore, #tpu.memory_space<semaphore_mem>>) src(%dma_wait3A_507 : memref<128xi32, #tpu.memory_space<hbm>>) dst(%arg11 : memref<128xi32, #tpu.memory_space<vmem>>)
      %dma_start3A_508 = arith.constant 0 : i32
      %dma_start3A_509 = arith.constant 0 : i32
      %dma_start3A_510 = tpu.memref_slice %arg2[%dma_start3A_508, %dma_start3A_509] : memref<10000x128xf32, #tpu.memory_space<hbm>> -> memref<10000x128xf32, #tpu.memory_space<hbm>>
      tpu.enqueue_indirect_dma source(%dma_start3A_510 : memref<10000x128xf32, #tpu.memory_space<hbm>>) target(%arg14 : memref<128x128xf32, #tpu.memory_space<vmem>>) offsets(%arg8 : memref<128xi32, #tpu.memory_space<vmem>>) semaphore(%arg18 : memref<!tpu.dma_semaphore, #tpu.memory_space<semaphore_mem>>)
      %dma_wait3A_511 = arith.constant 0 : i32
      %dma_wait3A_512 = arith.constant 0 : i32
      %dma_wait3A_513 = tpu.memref_slice %arg2[%dma_wait3A_511, %dma_wait3A_512] : memref<10000x128xf32, #tpu.memory_space<hbm>> -> memref<10000x128xf32, #tpu.memory_space<hbm>>
      tpu.wait_indirect_dma semaphore(%arg19 : memref<!tpu.dma_semaphore, #tpu.memory_space<semaphore_mem>>) src(%dma_wait3A_513 : memref<10000x128xf32, #tpu.memory_space<hbm>>) dst(%arg15 : memref<128x128xf32, #tpu.memory_space<vmem>>)
      "tpu.region"() ({
        %run_scoped3A = tpu.sem_alloc : memref<!tpu.dma_semaphore, #tpu.memory_space<semaphore_mem>>
        %dma_start3A_544 = arith.constant 0 : i32
        %dma_start3A_545 = arith.constant 0 : i32
        %dma_start3A_546 = tpu.memref_slice %arg16[%dma_start3A_544, %dma_start3A_545] : memref<10112x128xf32, #tpu.memory_space<vmem_shared>> -> memref<10112x128xf32, #tpu.memory_space<vmem_shared>>
        tpu.enqueue_indirect_dma source(%arg15 : memref<128x128xf32, #tpu.memory_space<vmem>>) target(%dma_start3A_546 : memref<10112x128xf32, #tpu.memory_space<vmem_shared>>) offsets(%arg12 : memref<128xi32, #tpu.memory_space<vmem>>) semaphore(%run_scoped3A : memref<!tpu.dma_semaphore, #tpu.memory_space<semaphore_mem>>) {add = true}
        %dma_wait3A_547 = arith.constant 0 : i32
        %dma_wait3A_548 = arith.constant 0 : i32
        %dma_wait3A_549 = tpu.memref_slice %arg16[%dma_wait3A_547, %dma_wait3A_548] : memref<10112x128xf32, #tpu.memory_space<vmem_shared>> -> memref<10112x128xf32, #tpu.memory_space<vmem_shared>>
        tpu.wait_indirect_dma semaphore(%run_scoped3A : memref<!tpu.dma_semaphore, #tpu.memory_space<semaphore_mem>>) src(%arg15 : memref<128x128xf32, #tpu.memory_space<vmem>>) dst(%dma_wait3A_549 : memref<10112x128xf32, #tpu.memory_space<vmem_shared>>)
        tpu.yield
      }) : () -> ()
      %add3A_514 = arith.constant 3 : i32
      %add3A_515 = arith.addi %add3A_477, %add3A_514 : i32
      %dma_start3A_516 = arith.constant 0 : i32
      %dma_start3A_517 = arith.constant 0 : i32
      %dma_start3A_518 = tpu.memref_slice %arg3[%add3A, %dma_start3A_516, %dma_start3A_517] : memref<32x80x128xi32, #tpu.memory_space<hbm>> -> memref<1x80x128xi32, #tpu.memory_space<hbm>>
      %dma_start3A_519 = tpu.memref_squeeze %dma_start3A_518 : memref<1x80x128xi32, #tpu.memory_space<hbm>> -> memref<80x128xi32, #tpu.memory_space<hbm>>
      %dma_start3A_520 = arith.constant 0 : i32
      %dma_start3A_521 = tpu.memref_slice %dma_start3A_519[%add3A_515, %dma_start3A_520] : memref<80x128xi32, #tpu.memory_space<hbm>> -> memref<1x128xi32, #tpu.memory_space<hbm>>
      %dma_start3A_522 = tpu.memref_squeeze %dma_start3A_521 : memref<1x128xi32, #tpu.memory_space<hbm>> -> memref<128xi32, #tpu.memory_space<hbm>>
      %dma_start3A_523 = arith.constant 0 : i32
      %dma_start3A_524 = arith.constant 0 : i32
      %dma_start3A_525 = tpu.memref_slice %arg3[%add3A, %dma_start3A_523, %dma_start3A_524] : memref<32x80x128xi32, #tpu.memory_space<hbm>> -> memref<1x80x128xi32, #tpu.memory_space<hbm>>
      %dma_start3A_526 = tpu.memref_squeeze %dma_start3A_525 : memref<1x80x128xi32, #tpu.memory_space<hbm>> -> memref<80x128xi32, #tpu.memory_space<hbm>>
      %dma_start3A_527 = arith.constant 0 : i32
      %dma_start3A_528 = tpu.memref_slice %dma_start3A_526[%add3A_515, %dma_start3A_527] : memref<80x128xi32, #tpu.memory_space<hbm>> -> memref<1x128xi32, #tpu.memory_space<hbm>>
      %dma_start3A_529 = tpu.memref_squeeze %dma_start3A_528 : memref<1x128xi32, #tpu.memory_space<hbm>> -> memref<128xi32, #tpu.memory_space<hbm>>
      tpu.enqueue_dma source(%dma_start3A_529 : memref<128xi32, #tpu.memory_space<hbm>>) target(%arg9 : memref<128xi32, #tpu.memory_space<vmem>>) target_semaphore(%arg22 : memref<!tpu.dma_semaphore, #tpu.memory_space<semaphore_mem>>)
      %dma_start3A_530 = arith.constant 0 : i32
      %dma_start3A_531 = arith.constant 0 : i32
      %dma_start3A_532 = tpu.memref_slice %arg4[%add3A, %dma_start3A_530, %dma_start3A_531] : memref<32x80x128xi32, #tpu.memory_space<hbm>> -> memref<1x80x128xi32, #tpu.memory_space<hbm>>
      %dma_start3A_533 = tpu.memref_squeeze %dma_start3A_532 : memref<1x80x128xi32, #tpu.memory_space<hbm>> -> memref<80x128xi32, #tpu.memory_space<hbm>>
      %dma_start3A_534 = arith.constant 0 : i32
      %dma_start3A_535 = tpu.memref_slice %dma_start3A_533[%add3A_515, %dma_start3A_534] : memref<80x128xi32, #tpu.memory_space<hbm>> -> memref<1x128xi32, #tpu.memory_space<hbm>>
      %dma_start3A_536 = tpu.memref_squeeze %dma_start3A_535 : memref<1x128xi32, #tpu.memory_space<hbm>> -> memref<128xi32, #tpu.memory_space<hbm>>
      %dma_start3A_537 = arith.constant 0 : i32
      %dma_start3A_538 = arith.constant 0 : i32
      %dma_start3A_539 = tpu.memref_slice %arg4[%add3A, %dma_start3A_537, %dma_start3A_538] : memref<32x80x128xi32, #tpu.memory_space<hbm>> -> memref<1x80x128xi32, #tpu.memory_space<hbm>>
      %dma_start3A_540 = tpu.memref_squeeze %dma_start3A_539 : memref<1x80x128xi32, #tpu.memory_space<hbm>> -> memref<80x128xi32, #tpu.memory_space<hbm>>
      %dma_start3A_541 = arith.constant 0 : i32
      %dma_start3A_542 = tpu.memref_slice %dma_start3A_540[%add3A_515, %dma_start3A_541] : memref<80x128xi32, #tpu.memory_space<hbm>> -> memref<1x128xi32, #tpu.memory_space<hbm>>
      %dma_start3A_543 = tpu.memref_squeeze %dma_start3A_542 : memref<1x128xi32, #tpu.memory_space<hbm>> -> memref<128xi32, #tpu.memory_space<hbm>>
      tpu.enqueue_dma source(%dma_start3A_543 : memref<128xi32, #tpu.memory_space<hbm>>) target(%arg12 : memref<128xi32, #tpu.memory_space<vmem>>) target_semaphore(%arg22 : memref<!tpu.dma_semaphore, #tpu.memory_space<semaphore_mem>>)
    }
    %scan3A_161 = arith.constant 25 : i32
    %dma_wait3A_162 = arith.constant 77 : i32
    %dma_wait3A_163 = arith.constant 0 : i32
    %dma_wait3A_164 = arith.constant 0 : i32
    %dma_wait3A_165 = tpu.memref_slice %arg3[%add3A, %dma_wait3A_163, %dma_wait3A_164] : memref<32x80x128xi32, #tpu.memory_space<hbm>> -> memref<1x80x128xi32, #tpu.memory_space<hbm>>
    %dma_wait3A_166 = tpu.memref_squeeze %dma_wait3A_165 : memref<1x80x128xi32, #tpu.memory_space<hbm>> -> memref<80x128xi32, #tpu.memory_space<hbm>>
    %dma_wait3A_167 = arith.constant 0 : i32
    %dma_wait3A_168 = tpu.memref_slice %dma_wait3A_166[%dma_wait3A_162, %dma_wait3A_167] : memref<80x128xi32, #tpu.memory_space<hbm>> -> memref<1x128xi32, #tpu.memory_space<hbm>>
    %dma_wait3A_169 = tpu.memref_squeeze %dma_wait3A_168 : memref<1x128xi32, #tpu.memory_space<hbm>> -> memref<128xi32, #tpu.memory_space<hbm>>
    %dma_wait3A_170 = arith.constant 0 : i32
    %dma_wait3A_171 = arith.constant 0 : i32
    %dma_wait3A_172 = tpu.memref_slice %arg3[%add3A, %dma_wait3A_170, %dma_wait3A_171] : memref<32x80x128xi32, #tpu.memory_space<hbm>> -> memref<1x80x128xi32, #tpu.memory_space<hbm>>
    %dma_wait3A_173 = tpu.memref_squeeze %dma_wait3A_172 : memref<1x80x128xi32, #tpu.memory_space<hbm>> -> memref<80x128xi32, #tpu.memory_space<hbm>>
    %dma_wait3A_174 = arith.constant 0 : i32
    %dma_wait3A_175 = tpu.memref_slice %dma_wait3A_173[%dma_wait3A_162, %dma_wait3A_174] : memref<80x128xi32, #tpu.memory_space<hbm>> -> memref<1x128xi32, #tpu.memory_space<hbm>>
    %dma_wait3A_176 = tpu.memref_squeeze %dma_wait3A_175 : memref<1x128xi32, #tpu.memory_space<hbm>> -> memref<128xi32, #tpu.memory_space<hbm>>
    tpu.wait_dma2 semaphore(%arg22 : memref<!tpu.dma_semaphore, #tpu.memory_space<semaphore_mem>>) src(%dma_wait3A_176 : memref<128xi32, #tpu.memory_space<hbm>>) dst(%arg9 : memref<128xi32, #tpu.memory_space<vmem>>)
    %dma_wait3A_177 = arith.constant 77 : i32
    %dma_wait3A_178 = arith.constant 0 : i32
    %dma_wait3A_179 = arith.constant 0 : i32
    %dma_wait3A_180 = tpu.memref_slice %arg4[%add3A, %dma_wait3A_178, %dma_wait3A_179] : memref<32x80x128xi32, #tpu.memory_space<hbm>> -> memref<1x80x128xi32, #tpu.memory_space<hbm>>
    %dma_wait3A_181 = tpu.memref_squeeze %dma_wait3A_180 : memref<1x80x128xi32, #tpu.memory_space<hbm>> -> memref<80x128xi32, #tpu.memory_space<hbm>>
    %dma_wait3A_182 = arith.constant 0 : i32
    %dma_wait3A_183 = tpu.memref_slice %dma_wait3A_181[%dma_wait3A_177, %dma_wait3A_182] : memref<80x128xi32, #tpu.memory_space<hbm>> -> memref<1x128xi32, #tpu.memory_space<hbm>>
    %dma_wait3A_184 = tpu.memref_squeeze %dma_wait3A_183 : memref<1x128xi32, #tpu.memory_space<hbm>> -> memref<128xi32, #tpu.memory_space<hbm>>
    %dma_wait3A_185 = arith.constant 0 : i32
    %dma_wait3A_186 = arith.constant 0 : i32
    %dma_wait3A_187 = tpu.memref_slice %arg4[%add3A, %dma_wait3A_185, %dma_wait3A_186] : memref<32x80x128xi32, #tpu.memory_space<hbm>> -> memref<1x80x128xi32, #tpu.memory_space<hbm>>
    %dma_wait3A_188 = tpu.memref_squeeze %dma_wait3A_187 : memref<1x80x128xi32, #tpu.memory_space<hbm>> -> memref<80x128xi32, #tpu.memory_space<hbm>>
    %dma_wait3A_189 = arith.constant 0 : i32
    %dma_wait3A_190 = tpu.memref_slice %dma_wait3A_188[%dma_wait3A_177, %dma_wait3A_189] : memref<80x128xi32, #tpu.memory_space<hbm>> -> memref<1x128xi32, #tpu.memory_space<hbm>>
    %dma_wait3A_191 = tpu.memref_squeeze %dma_wait3A_190 : memref<1x128xi32, #tpu.memory_space<hbm>> -> memref<128xi32, #tpu.memory_space<hbm>>
    tpu.wait_dma2 semaphore(%arg22 : memref<!tpu.dma_semaphore, #tpu.memory_space<semaphore_mem>>) src(%dma_wait3A_191 : memref<128xi32, #tpu.memory_space<hbm>>) dst(%arg12 : memref<128xi32, #tpu.memory_space<vmem>>)
    %dma_start3A_192 = arith.constant 0 : i32
    %dma_start3A_193 = arith.constant 0 : i32
    %dma_start3A_194 = tpu.memref_slice %arg2[%dma_start3A_192, %dma_start3A_193] : memref<10000x128xf32, #tpu.memory_space<hbm>> -> memref<10000x128xf32, #tpu.memory_space<hbm>>
    tpu.enqueue_indirect_dma source(%dma_start3A_194 : memref<10000x128xf32, #tpu.memory_space<hbm>>) target(%arg15 : memref<128x128xf32, #tpu.memory_space<vmem>>) offsets(%arg9 : memref<128xi32, #tpu.memory_space<vmem>>) semaphore(%arg19 : memref<!tpu.dma_semaphore, #tpu.memory_space<semaphore_mem>>)
    %dma_wait3A_195 = arith.constant 0 : i32
    %dma_wait3A_196 = arith.constant 0 : i32
    %dma_wait3A_197 = tpu.memref_slice %arg2[%dma_wait3A_195, %dma_wait3A_196] : memref<10000x128xf32, #tpu.memory_space<hbm>> -> memref<10000x128xf32, #tpu.memory_space<hbm>>
    tpu.wait_indirect_dma semaphore(%arg17 : memref<!tpu.dma_semaphore, #tpu.memory_space<semaphore_mem>>) src(%dma_wait3A_197 : memref<10000x128xf32, #tpu.memory_space<hbm>>) dst(%arg13 : memref<128x128xf32, #tpu.memory_space<vmem>>)
    "tpu.region"() ({
      %run_scoped3A = tpu.sem_alloc : memref<!tpu.dma_semaphore, #tpu.memory_space<semaphore_mem>>
      %dma_start3A_337 = arith.constant 0 : i32
      %dma_start3A_338 = arith.constant 0 : i32
      %dma_start3A_339 = tpu.memref_slice %arg16[%dma_start3A_337, %dma_start3A_338] : memref<10112x128xf32, #tpu.memory_space<vmem_shared>> -> memref<10112x128xf32, #tpu.memory_space<vmem_shared>>
      tpu.enqueue_indirect_dma source(%arg13 : memref<128x128xf32, #tpu.memory_space<vmem>>) target(%dma_start3A_339 : memref<10112x128xf32, #tpu.memory_space<vmem_shared>>) offsets(%arg10 : memref<128xi32, #tpu.memory_space<vmem>>) semaphore(%run_scoped3A : memref<!tpu.dma_semaphore, #tpu.memory_space<semaphore_mem>>) {add = true}
      %dma_wait3A_340 = arith.constant 0 : i32
      %dma_wait3A_341 = arith.constant 0 : i32
      %dma_wait3A_342 = tpu.memref_slice %arg16[%dma_wait3A_340, %dma_wait3A_341] : memref<10112x128xf32, #tpu.memory_space<vmem_shared>> -> memref<10112x128xf32, #tpu.memory_space<vmem_shared>>
      tpu.wait_indirect_dma semaphore(%run_scoped3A : memref<!tpu.dma_semaphore, #tpu.memory_space<semaphore_mem>>) src(%arg13 : memref<128x128xf32, #tpu.memory_space<vmem>>) dst(%dma_wait3A_342 : memref<10112x128xf32, #tpu.memory_space<vmem_shared>>)
      tpu.yield
    }) : () -> ()
    %dma_start3A_198 = arith.constant 78 : i32
    %dma_start3A_199 = arith.constant 0 : i32
    %dma_start3A_200 = arith.constant 0 : i32
    %dma_start3A_201 = tpu.memref_slice %arg3[%add3A, %dma_start3A_199, %dma_start3A_200] : memref<32x80x128xi32, #tpu.memory_space<hbm>> -> memref<1x80x128xi32, #tpu.memory_space<hbm>>
    %dma_start3A_202 = tpu.memref_squeeze %dma_start3A_201 : memref<1x80x128xi32, #tpu.memory_space<hbm>> -> memref<80x128xi32, #tpu.memory_space<hbm>>
    %dma_start3A_203 = arith.constant 0 : i32
    %dma_start3A_204 = tpu.memref_slice %dma_start3A_202[%dma_start3A_198, %dma_start3A_203] : memref<80x128xi32, #tpu.memory_space<hbm>> -> memref<1x128xi32, #tpu.memory_space<hbm>>
    %dma_start3A_205 = tpu.memref_squeeze %dma_start3A_204 : memref<1x128xi32, #tpu.memory_space<hbm>> -> memref<128xi32, #tpu.memory_space<hbm>>
    %dma_start3A_206 = arith.constant 0 : i32
    %dma_start3A_207 = arith.constant 0 : i32
    %dma_start3A_208 = tpu.memref_slice %arg3[%add3A, %dma_start3A_206, %dma_start3A_207] : memref<32x80x128xi32, #tpu.memory_space<hbm>> -> memref<1x80x128xi32, #tpu.memory_space<hbm>>
    %dma_start3A_209 = tpu.memref_squeeze %dma_start3A_208 : memref<1x80x128xi32, #tpu.memory_space<hbm>> -> memref<80x128xi32, #tpu.memory_space<hbm>>
    %dma_start3A_210 = arith.constant 0 : i32
    %dma_start3A_211 = tpu.memref_slice %dma_start3A_209[%dma_start3A_198, %dma_start3A_210] : memref<80x128xi32, #tpu.memory_space<hbm>> -> memref<1x128xi32, #tpu.memory_space<hbm>>
    %dma_start3A_212 = tpu.memref_squeeze %dma_start3A_211 : memref<1x128xi32, #tpu.memory_space<hbm>> -> memref<128xi32, #tpu.memory_space<hbm>>
    tpu.enqueue_dma source(%dma_start3A_212 : memref<128xi32, #tpu.memory_space<hbm>>) target(%arg7 : memref<128xi32, #tpu.memory_space<vmem>>) target_semaphore(%arg20 : memref<!tpu.dma_semaphore, #tpu.memory_space<semaphore_mem>>)
    %dma_start3A_213 = arith.constant 78 : i32
    %dma_start3A_214 = arith.constant 0 : i32
    %dma_start3A_215 = arith.constant 0 : i32
    %dma_start3A_216 = tpu.memref_slice %arg4[%add3A, %dma_start3A_214, %dma_start3A_215] : memref<32x80x128xi32, #tpu.memory_space<hbm>> -> memref<1x80x128xi32, #tpu.memory_space<hbm>>
    %dma_start3A_217 = tpu.memref_squeeze %dma_start3A_216 : memref<1x80x128xi32, #tpu.memory_space<hbm>> -> memref<80x128xi32, #tpu.memory_space<hbm>>
    %dma_start3A_218 = arith.constant 0 : i32
    %dma_start3A_219 = tpu.memref_slice %dma_start3A_217[%dma_start3A_213, %dma_start3A_218] : memref<80x128xi32, #tpu.memory_space<hbm>> -> memref<1x128xi32, #tpu.memory_space<hbm>>
    %dma_start3A_220 = tpu.memref_squeeze %dma_start3A_219 : memref<1x128xi32, #tpu.memory_space<hbm>> -> memref<128xi32, #tpu.memory_space<hbm>>
    %dma_start3A_221 = arith.constant 0 : i32
    %dma_start3A_222 = arith.constant 0 : i32
    %dma_start3A_223 = tpu.memref_slice %arg4[%add3A, %dma_start3A_221, %dma_start3A_222] : memref<32x80x128xi32, #tpu.memory_space<hbm>> -> memref<1x80x128xi32, #tpu.memory_space<hbm>>
    %dma_start3A_224 = tpu.memref_squeeze %dma_start3A_223 : memref<1x80x128xi32, #tpu.memory_space<hbm>> -> memref<80x128xi32, #tpu.memory_space<hbm>>
    %dma_start3A_225 = arith.constant 0 : i32
    %dma_start3A_226 = tpu.memref_slice %dma_start3A_224[%dma_start3A_213, %dma_start3A_225] : memref<80x128xi32, #tpu.memory_space<hbm>> -> memref<1x128xi32, #tpu.memory_space<hbm>>
    %dma_start3A_227 = tpu.memref_squeeze %dma_start3A_226 : memref<1x128xi32, #tpu.memory_space<hbm>> -> memref<128xi32, #tpu.memory_space<hbm>>
    tpu.enqueue_dma source(%dma_start3A_227 : memref<128xi32, #tpu.memory_space<hbm>>) target(%arg10 : memref<128xi32, #tpu.memory_space<vmem>>) target_semaphore(%arg20 : memref<!tpu.dma_semaphore, #tpu.memory_space<semaphore_mem>>)
    %dma_wait3A_228 = arith.constant 78 : i32
    %dma_wait3A_229 = arith.constant 0 : i32
    %dma_wait3A_230 = arith.constant 0 : i32
    %dma_wait3A_231 = tpu.memref_slice %arg3[%add3A, %dma_wait3A_229, %dma_wait3A_230] : memref<32x80x128xi32, #tpu.memory_space<hbm>> -> memref<1x80x128xi32, #tpu.memory_space<hbm>>
    %dma_wait3A_232 = tpu.memref_squeeze %dma_wait3A_231 : memref<1x80x128xi32, #tpu.memory_space<hbm>> -> memref<80x128xi32, #tpu.memory_space<hbm>>
    %dma_wait3A_233 = arith.constant 0 : i32
    %dma_wait3A_234 = tpu.memref_slice %dma_wait3A_232[%dma_wait3A_228, %dma_wait3A_233] : memref<80x128xi32, #tpu.memory_space<hbm>> -> memref<1x128xi32, #tpu.memory_space<hbm>>
    %dma_wait3A_235 = tpu.memref_squeeze %dma_wait3A_234 : memref<1x128xi32, #tpu.memory_space<hbm>> -> memref<128xi32, #tpu.memory_space<hbm>>
    %dma_wait3A_236 = arith.constant 0 : i32
    %dma_wait3A_237 = arith.constant 0 : i32
    %dma_wait3A_238 = tpu.memref_slice %arg3[%add3A, %dma_wait3A_236, %dma_wait3A_237] : memref<32x80x128xi32, #tpu.memory_space<hbm>> -> memref<1x80x128xi32, #tpu.memory_space<hbm>>
    %dma_wait3A_239 = tpu.memref_squeeze %dma_wait3A_238 : memref<1x80x128xi32, #tpu.memory_space<hbm>> -> memref<80x128xi32, #tpu.memory_space<hbm>>
    %dma_wait3A_240 = arith.constant 0 : i32
    %dma_wait3A_241 = tpu.memref_slice %dma_wait3A_239[%dma_wait3A_228, %dma_wait3A_240] : memref<80x128xi32, #tpu.memory_space<hbm>> -> memref<1x128xi32, #tpu.memory_space<hbm>>
    %dma_wait3A_242 = tpu.memref_squeeze %dma_wait3A_241 : memref<1x128xi32, #tpu.memory_space<hbm>> -> memref<128xi32, #tpu.memory_space<hbm>>
    tpu.wait_dma2 semaphore(%arg20 : memref<!tpu.dma_semaphore, #tpu.memory_space<semaphore_mem>>) src(%dma_wait3A_242 : memref<128xi32, #tpu.memory_space<hbm>>) dst(%arg7 : memref<128xi32, #tpu.memory_space<vmem>>)
    %dma_wait3A_243 = arith.constant 78 : i32
    %dma_wait3A_244 = arith.constant 0 : i32
    %dma_wait3A_245 = arith.constant 0 : i32
    %dma_wait3A_246 = tpu.memref_slice %arg4[%add3A, %dma_wait3A_244, %dma_wait3A_245] : memref<32x80x128xi32, #tpu.memory_space<hbm>> -> memref<1x80x128xi32, #tpu.memory_space<hbm>>
    %dma_wait3A_247 = tpu.memref_squeeze %dma_wait3A_246 : memref<1x80x128xi32, #tpu.memory_space<hbm>> -> memref<80x128xi32, #tpu.memory_space<hbm>>
    %dma_wait3A_248 = arith.constant 0 : i32
    %dma_wait3A_249 = tpu.memref_slice %dma_wait3A_247[%dma_wait3A_243, %dma_wait3A_248] : memref<80x128xi32, #tpu.memory_space<hbm>> -> memref<1x128xi32, #tpu.memory_space<hbm>>
    %dma_wait3A_250 = tpu.memref_squeeze %dma_wait3A_249 : memref<1x128xi32, #tpu.memory_space<hbm>> -> memref<128xi32, #tpu.memory_space<hbm>>
    %dma_wait3A_251 = arith.constant 0 : i32
    %dma_wait3A_252 = arith.constant 0 : i32
    %dma_wait3A_253 = tpu.memref_slice %arg4[%add3A, %dma_wait3A_251, %dma_wait3A_252] : memref<32x80x128xi32, #tpu.memory_space<hbm>> -> memref<1x80x128xi32, #tpu.memory_space<hbm>>
    %dma_wait3A_254 = tpu.memref_squeeze %dma_wait3A_253 : memref<1x80x128xi32, #tpu.memory_space<hbm>> -> memref<80x128xi32, #tpu.memory_space<hbm>>
    %dma_wait3A_255 = arith.constant 0 : i32
    %dma_wait3A_256 = tpu.memref_slice %dma_wait3A_254[%dma_wait3A_243, %dma_wait3A_255] : memref<80x128xi32, #tpu.memory_space<hbm>> -> memref<1x128xi32, #tpu.memory_space<hbm>>
    %dma_wait3A_257 = tpu.memref_squeeze %dma_wait3A_256 : memref<1x128xi32, #tpu.memory_space<hbm>> -> memref<128xi32, #tpu.memory_space<hbm>>
    tpu.wait_dma2 semaphore(%arg20 : memref<!tpu.dma_semaphore, #tpu.memory_space<semaphore_mem>>) src(%dma_wait3A_257 : memref<128xi32, #tpu.memory_space<hbm>>) dst(%arg10 : memref<128xi32, #tpu.memory_space<vmem>>)
    %dma_start3A_258 = arith.constant 0 : i32
    %dma_start3A_259 = arith.constant 0 : i32
    %dma_start3A_260 = tpu.memref_slice %arg2[%dma_start3A_258, %dma_start3A_259] : memref<10000x128xf32, #tpu.memory_space<hbm>> -> memref<10000x128xf32, #tpu.memory_space<hbm>>
    tpu.enqueue_indirect_dma source(%dma_start3A_260 : memref<10000x128xf32, #tpu.memory_space<hbm>>) target(%arg13 : memref<128x128xf32, #tpu.memory_space<vmem>>) offsets(%arg7 : memref<128xi32, #tpu.memory_space<vmem>>) semaphore(%arg17 : memref<!tpu.dma_semaphore, #tpu.memory_space<semaphore_mem>>)
    %dma_wait3A_261 = arith.constant 0 : i32
    %dma_wait3A_262 = arith.constant 0 : i32
    %dma_wait3A_263 = tpu.memref_slice %arg2[%dma_wait3A_261, %dma_wait3A_262] : memref<10000x128xf32, #tpu.memory_space<hbm>> -> memref<10000x128xf32, #tpu.memory_space<hbm>>
    tpu.wait_indirect_dma semaphore(%arg18 : memref<!tpu.dma_semaphore, #tpu.memory_space<semaphore_mem>>) src(%dma_wait3A_263 : memref<10000x128xf32, #tpu.memory_space<hbm>>) dst(%arg14 : memref<128x128xf32, #tpu.memory_space<vmem>>)
    "tpu.region"() ({
      %run_scoped3A = tpu.sem_alloc : memref<!tpu.dma_semaphore, #tpu.memory_space<semaphore_mem>>
      %dma_start3A_337 = arith.constant 0 : i32
      %dma_start3A_338 = arith.constant 0 : i32
      %dma_start3A_339 = tpu.memref_slice %arg16[%dma_start3A_337, %dma_start3A_338] : memref<10112x128xf32, #tpu.memory_space<vmem_shared>> -> memref<10112x128xf32, #tpu.memory_space<vmem_shared>>
      tpu.enqueue_indirect_dma source(%arg14 : memref<128x128xf32, #tpu.memory_space<vmem>>) target(%dma_start3A_339 : memref<10112x128xf32, #tpu.memory_space<vmem_shared>>) offsets(%arg11 : memref<128xi32, #tpu.memory_space<vmem>>) semaphore(%run_scoped3A : memref<!tpu.dma_semaphore, #tpu.memory_space<semaphore_mem>>) {add = true}
      %dma_wait3A_340 = arith.constant 0 : i32
      %dma_wait3A_341 = arith.constant 0 : i32
      %dma_wait3A_342 = tpu.memref_slice %arg16[%dma_wait3A_340, %dma_wait3A_341] : memref<10112x128xf32, #tpu.memory_space<vmem_shared>> -> memref<10112x128xf32, #tpu.memory_space<vmem_shared>>
      tpu.wait_indirect_dma semaphore(%run_scoped3A : memref<!tpu.dma_semaphore, #tpu.memory_space<semaphore_mem>>) src(%arg14 : memref<128x128xf32, #tpu.memory_space<vmem>>) dst(%dma_wait3A_342 : memref<10112x128xf32, #tpu.memory_space<vmem_shared>>)
      tpu.yield
    }) : () -> ()
    %dma_start3A_264 = arith.constant 79 : i32
    %dma_start3A_265 = arith.constant 0 : i32
    %dma_start3A_266 = arith.constant 0 : i32
    %dma_start3A_267 = tpu.memref_slice %arg3[%add3A, %dma_start3A_265, %dma_start3A_266] : memref<32x80x128xi32, #tpu.memory_space<hbm>> -> memref<1x80x128xi32, #tpu.memory_space<hbm>>
    %dma_start3A_268 = tpu.memref_squeeze %dma_start3A_267 : memref<1x80x128xi32, #tpu.memory_space<hbm>> -> memref<80x128xi32, #tpu.memory_space<hbm>>
    %dma_start3A_269 = arith.constant 0 : i32
    %dma_start3A_270 = tpu.memref_slice %dma_start3A_268[%dma_start3A_264, %dma_start3A_269] : memref<80x128xi32, #tpu.memory_space<hbm>> -> memref<1x128xi32, #tpu.memory_space<hbm>>
    %dma_start3A_271 = tpu.memref_squeeze %dma_start3A_270 : memref<1x128xi32, #tpu.memory_space<hbm>> -> memref<128xi32, #tpu.memory_space<hbm>>
    %dma_start3A_272 = arith.constant 0 : i32
    %dma_start3A_273 = arith.constant 0 : i32
    %dma_start3A_274 = tpu.memref_slice %arg3[%add3A, %dma_start3A_272, %dma_start3A_273] : memref<32x80x128xi32, #tpu.memory_space<hbm>> -> memref<1x80x128xi32, #tpu.memory_space<hbm>>
    %dma_start3A_275 = tpu.memref_squeeze %dma_start3A_274 : memref<1x80x128xi32, #tpu.memory_space<hbm>> -> memref<80x128xi32, #tpu.memory_space<hbm>>
    %dma_start3A_276 = arith.constant 0 : i32
    %dma_start3A_277 = tpu.memref_slice %dma_start3A_275[%dma_start3A_264, %dma_start3A_276] : memref<80x128xi32, #tpu.memory_space<hbm>> -> memref<1x128xi32, #tpu.memory_space<hbm>>
    %dma_start3A_278 = tpu.memref_squeeze %dma_start3A_277 : memref<1x128xi32, #tpu.memory_space<hbm>> -> memref<128xi32, #tpu.memory_space<hbm>>
    tpu.enqueue_dma source(%dma_start3A_278 : memref<128xi32, #tpu.memory_space<hbm>>) target(%arg8 : memref<128xi32, #tpu.memory_space<vmem>>) target_semaphore(%arg21 : memref<!tpu.dma_semaphore, #tpu.memory_space<semaphore_mem>>)
    %dma_start3A_279 = arith.constant 79 : i32
    %dma_start3A_280 = arith.constant 0 : i32
    %dma_start3A_281 = arith.constant 0 : i32
    %dma_start3A_282 = tpu.memref_slice %arg4[%add3A, %dma_start3A_280, %dma_start3A_281] : memref<32x80x128xi32, #tpu.memory_space<hbm>> -> memref<1x80x128xi32, #tpu.memory_space<hbm>>
    %dma_start3A_283 = tpu.memref_squeeze %dma_start3A_282 : memref<1x80x128xi32, #tpu.memory_space<hbm>> -> memref<80x128xi32, #tpu.memory_space<hbm>>
    %dma_start3A_284 = arith.constant 0 : i32
    %dma_start3A_285 = tpu.memref_slice %dma_start3A_283[%dma_start3A_279, %dma_start3A_284] : memref<80x128xi32, #tpu.memory_space<hbm>> -> memref<1x128xi32, #tpu.memory_space<hbm>>
    %dma_start3A_286 = tpu.memref_squeeze %dma_start3A_285 : memref<1x128xi32, #tpu.memory_space<hbm>> -> memref<128xi32, #tpu.memory_space<hbm>>
    %dma_start3A_287 = arith.constant 0 : i32
    %dma_start3A_288 = arith.constant 0 : i32
    %dma_start3A_289 = tpu.memref_slice %arg4[%add3A, %dma_start3A_287, %dma_start3A_288] : memref<32x80x128xi32, #tpu.memory_space<hbm>> -> memref<1x80x128xi32, #tpu.memory_space<hbm>>
    %dma_start3A_290 = tpu.memref_squeeze %dma_start3A_289 : memref<1x80x128xi32, #tpu.memory_space<hbm>> -> memref<80x128xi32, #tpu.memory_space<hbm>>
    %dma_start3A_291 = arith.constant 0 : i32
    %dma_start3A_292 = tpu.memref_slice %dma_start3A_290[%dma_start3A_279, %dma_start3A_291] : memref<80x128xi32, #tpu.memory_space<hbm>> -> memref<1x128xi32, #tpu.memory_space<hbm>>
    %dma_start3A_293 = tpu.memref_squeeze %dma_start3A_292 : memref<1x128xi32, #tpu.memory_space<hbm>> -> memref<128xi32, #tpu.memory_space<hbm>>
    tpu.enqueue_dma source(%dma_start3A_293 : memref<128xi32, #tpu.memory_space<hbm>>) target(%arg11 : memref<128xi32, #tpu.memory_space<vmem>>) target_semaphore(%arg21 : memref<!tpu.dma_semaphore, #tpu.memory_space<semaphore_mem>>)
    %dma_wait3A_294 = arith.constant 79 : i32
    %dma_wait3A_295 = arith.constant 0 : i32
    %dma_wait3A_296 = arith.constant 0 : i32
    %dma_wait3A_297 = tpu.memref_slice %arg3[%add3A, %dma_wait3A_295, %dma_wait3A_296] : memref<32x80x128xi32, #tpu.memory_space<hbm>> -> memref<1x80x128xi32, #tpu.memory_space<hbm>>
    %dma_wait3A_298 = tpu.memref_squeeze %dma_wait3A_297 : memref<1x80x128xi32, #tpu.memory_space<hbm>> -> memref<80x128xi32, #tpu.memory_space<hbm>>
    %dma_wait3A_299 = arith.constant 0 : i32
    %dma_wait3A_300 = tpu.memref_slice %dma_wait3A_298[%dma_wait3A_294, %dma_wait3A_299] : memref<80x128xi32, #tpu.memory_space<hbm>> -> memref<1x128xi32, #tpu.memory_space<hbm>>
    %dma_wait3A_301 = tpu.memref_squeeze %dma_wait3A_300 : memref<1x128xi32, #tpu.memory_space<hbm>> -> memref<128xi32, #tpu.memory_space<hbm>>
    %dma_wait3A_302 = arith.constant 0 : i32
    %dma_wait3A_303 = arith.constant 0 : i32
    %dma_wait3A_304 = tpu.memref_slice %arg3[%add3A, %dma_wait3A_302, %dma_wait3A_303] : memref<32x80x128xi32, #tpu.memory_space<hbm>> -> memref<1x80x128xi32, #tpu.memory_space<hbm>>
    %dma_wait3A_305 = tpu.memref_squeeze %dma_wait3A_304 : memref<1x80x128xi32, #tpu.memory_space<hbm>> -> memref<80x128xi32, #tpu.memory_space<hbm>>
    %dma_wait3A_306 = arith.constant 0 : i32
    %dma_wait3A_307 = tpu.memref_slice %dma_wait3A_305[%dma_wait3A_294, %dma_wait3A_306] : memref<80x128xi32, #tpu.memory_space<hbm>> -> memref<1x128xi32, #tpu.memory_space<hbm>>
    %dma_wait3A_308 = tpu.memref_squeeze %dma_wait3A_307 : memref<1x128xi32, #tpu.memory_space<hbm>> -> memref<128xi32, #tpu.memory_space<hbm>>
    tpu.wait_dma2 semaphore(%arg21 : memref<!tpu.dma_semaphore, #tpu.memory_space<semaphore_mem>>) src(%dma_wait3A_308 : memref<128xi32, #tpu.memory_space<hbm>>) dst(%arg8 : memref<128xi32, #tpu.memory_space<vmem>>)
    %dma_wait3A_309 = arith.constant 79 : i32
    %dma_wait3A_310 = arith.constant 0 : i32
    %dma_wait3A_311 = arith.constant 0 : i32
    %dma_wait3A_312 = tpu.memref_slice %arg4[%add3A, %dma_wait3A_310, %dma_wait3A_311] : memref<32x80x128xi32, #tpu.memory_space<hbm>> -> memref<1x80x128xi32, #tpu.memory_space<hbm>>
    %dma_wait3A_313 = tpu.memref_squeeze %dma_wait3A_312 : memref<1x80x128xi32, #tpu.memory_space<hbm>> -> memref<80x128xi32, #tpu.memory_space<hbm>>
    %dma_wait3A_314 = arith.constant 0 : i32
    %dma_wait3A_315 = tpu.memref_slice %dma_wait3A_313[%dma_wait3A_309, %dma_wait3A_314] : memref<80x128xi32, #tpu.memory_space<hbm>> -> memref<1x128xi32, #tpu.memory_space<hbm>>
    %dma_wait3A_316 = tpu.memref_squeeze %dma_wait3A_315 : memref<1x128xi32, #tpu.memory_space<hbm>> -> memref<128xi32, #tpu.memory_space<hbm>>
    %dma_wait3A_317 = arith.constant 0 : i32
    %dma_wait3A_318 = arith.constant 0 : i32
    %dma_wait3A_319 = tpu.memref_slice %arg4[%add3A, %dma_wait3A_317, %dma_wait3A_318] : memref<32x80x128xi32, #tpu.memory_space<hbm>> -> memref<1x80x128xi32, #tpu.memory_space<hbm>>
    %dma_wait3A_320 = tpu.memref_squeeze %dma_wait3A_319 : memref<1x80x128xi32, #tpu.memory_space<hbm>> -> memref<80x128xi32, #tpu.memory_space<hbm>>
    %dma_wait3A_321 = arith.constant 0 : i32
    %dma_wait3A_322 = tpu.memref_slice %dma_wait3A_320[%dma_wait3A_309, %dma_wait3A_321] : memref<80x128xi32, #tpu.memory_space<hbm>> -> memref<1x128xi32, #tpu.memory_space<hbm>>
    %dma_wait3A_323 = tpu.memref_squeeze %dma_wait3A_322 : memref<1x128xi32, #tpu.memory_space<hbm>> -> memref<128xi32, #tpu.memory_space<hbm>>
    tpu.wait_dma2 semaphore(%arg21 : memref<!tpu.dma_semaphore, #tpu.memory_space<semaphore_mem>>) src(%dma_wait3A_323 : memref<128xi32, #tpu.memory_space<hbm>>) dst(%arg11 : memref<128xi32, #tpu.memory_space<vmem>>)
    %dma_start3A_324 = arith.constant 0 : i32
    %dma_start3A_325 = arith.constant 0 : i32
    %dma_start3A_326 = tpu.memref_slice %arg2[%dma_start3A_324, %dma_start3A_325] : memref<10000x128xf32, #tpu.memory_space<hbm>> -> memref<10000x128xf32, #tpu.memory_space<hbm>>
    tpu.enqueue_indirect_dma source(%dma_start3A_326 : memref<10000x128xf32, #tpu.memory_space<hbm>>) target(%arg14 : memref<128x128xf32, #tpu.memory_space<vmem>>) offsets(%arg8 : memref<128xi32, #tpu.memory_space<vmem>>) semaphore(%arg18 : memref<!tpu.dma_semaphore, #tpu.memory_space<semaphore_mem>>)
    %dma_wait3A_327 = arith.constant 0 : i32
    %dma_wait3A_328 = arith.constant 0 : i32
    %dma_wait3A_329 = tpu.memref_slice %arg2[%dma_wait3A_327, %dma_wait3A_328] : memref<10000x128xf32, #tpu.memory_space<hbm>> -> memref<10000x128xf32, #tpu.memory_space<hbm>>
    tpu.wait_indirect_dma semaphore(%arg19 : memref<!tpu.dma_semaphore, #tpu.memory_space<semaphore_mem>>) src(%dma_wait3A_329 : memref<10000x128xf32, #tpu.memory_space<hbm>>) dst(%arg15 : memref<128x128xf32, #tpu.memory_space<vmem>>)
    "tpu.region"() ({
      %run_scoped3A = tpu.sem_alloc : memref<!tpu.dma_semaphore, #tpu.memory_space<semaphore_mem>>
      %dma_start3A_337 = arith.constant 0 : i32
      %dma_start3A_338 = arith.constant 0 : i32
      %dma_start3A_339 = tpu.memref_slice %arg16[%dma_start3A_337, %dma_start3A_338] : memref<10112x128xf32, #tpu.memory_space<vmem_shared>> -> memref<10112x128xf32, #tpu.memory_space<vmem_shared>>
      tpu.enqueue_indirect_dma source(%arg15 : memref<128x128xf32, #tpu.memory_space<vmem>>) target(%dma_start3A_339 : memref<10112x128xf32, #tpu.memory_space<vmem_shared>>) offsets(%arg12 : memref<128xi32, #tpu.memory_space<vmem>>) semaphore(%run_scoped3A : memref<!tpu.dma_semaphore, #tpu.memory_space<semaphore_mem>>) {add = true}
      %dma_wait3A_340 = arith.constant 0 : i32
      %dma_wait3A_341 = arith.constant 0 : i32
      %dma_wait3A_342 = tpu.memref_slice %arg16[%dma_wait3A_340, %dma_wait3A_341] : memref<10112x128xf32, #tpu.memory_space<vmem_shared>> -> memref<10112x128xf32, #tpu.memory_space<vmem_shared>>
      tpu.wait_indirect_dma semaphore(%run_scoped3A : memref<!tpu.dma_semaphore, #tpu.memory_space<semaphore_mem>>) src(%arg15 : memref<128x128xf32, #tpu.memory_space<vmem>>) dst(%dma_wait3A_342 : memref<10112x128xf32, #tpu.memory_space<vmem_shared>>)
      tpu.yield
    }) : () -> ()
    %dma_wait3A_330 = arith.constant 0 : i32
    %dma_wait3A_331 = arith.constant 0 : i32
    %dma_wait3A_332 = tpu.memref_slice %arg2[%dma_wait3A_330, %dma_wait3A_331] : memref<10000x128xf32, #tpu.memory_space<hbm>> -> memref<10000x128xf32, #tpu.memory_space<hbm>>
    tpu.wait_indirect_dma semaphore(%arg17 : memref<!tpu.dma_semaphore, #tpu.memory_space<semaphore_mem>>) src(%dma_wait3A_332 : memref<10000x128xf32, #tpu.memory_space<hbm>>) dst(%arg13 : memref<128x128xf32, #tpu.memory_space<vmem>>)
    "tpu.region"() ({
      %run_scoped3A = tpu.sem_alloc : memref<!tpu.dma_semaphore, #tpu.memory_space<semaphore_mem>>
      %dma_start3A_337 = arith.constant 0 : i32
      %dma_start3A_338 = arith.constant 0 : i32
      %dma_start3A_339 = tpu.memref_slice %arg16[%dma_start3A_337, %dma_start3A_338] : memref<10112x128xf32, #tpu.memory_space<vmem_shared>> -> memref<10112x128xf32, #tpu.memory_space<vmem_shared>>
      tpu.enqueue_indirect_dma source(%arg13 : memref<128x128xf32, #tpu.memory_space<vmem>>) target(%dma_start3A_339 : memref<10112x128xf32, #tpu.memory_space<vmem_shared>>) offsets(%arg10 : memref<128xi32, #tpu.memory_space<vmem>>) semaphore(%run_scoped3A : memref<!tpu.dma_semaphore, #tpu.memory_space<semaphore_mem>>) {add = true}
      %dma_wait3A_340 = arith.constant 0 : i32
      %dma_wait3A_341 = arith.constant 0 : i32
      %dma_wait3A_342 = tpu.memref_slice %arg16[%dma_wait3A_340, %dma_wait3A_341] : memref<10112x128xf32, #tpu.memory_space<vmem_shared>> -> memref<10112x128xf32, #tpu.memory_space<vmem_shared>>
      tpu.wait_indirect_dma semaphore(%run_scoped3A : memref<!tpu.dma_semaphore, #tpu.memory_space<semaphore_mem>>) src(%arg13 : memref<128x128xf32, #tpu.memory_space<vmem>>) dst(%dma_wait3A_342 : memref<10112x128xf32, #tpu.memory_space<vmem_shared>>)
      tpu.yield
    }) : () -> ()
    %dma_wait3A_333 = arith.constant 0 : i32
    %dma_wait3A_334 = arith.constant 0 : i32
    %dma_wait3A_335 = tpu.memref_slice %arg2[%dma_wait3A_333, %dma_wait3A_334] : memref<10000x128xf32, #tpu.memory_space<hbm>> -> memref<10000x128xf32, #tpu.memory_space<hbm>>
    tpu.wait_indirect_dma semaphore(%arg18 : memref<!tpu.dma_semaphore, #tpu.memory_space<semaphore_mem>>) src(%dma_wait3A_335 : memref<10000x128xf32, #tpu.memory_space<hbm>>) dst(%arg14 : memref<128x128xf32, #tpu.memory_space<vmem>>)
    "tpu.region"() ({
      %run_scoped3A = tpu.sem_alloc : memref<!tpu.dma_semaphore, #tpu.memory_space<semaphore_mem>>
      %dma_start3A_337 = arith.constant 0 : i32
      %dma_start3A_338 = arith.constant 0 : i32
      %dma_start3A_339 = tpu.memref_slice %arg16[%dma_start3A_337, %dma_start3A_338] : memref<10112x128xf32, #tpu.memory_space<vmem_shared>> -> memref<10112x128xf32, #tpu.memory_space<vmem_shared>>
      tpu.enqueue_indirect_dma source(%arg14 : memref<128x128xf32, #tpu.memory_space<vmem>>) target(%dma_start3A_339 : memref<10112x128xf32, #tpu.memory_space<vmem_shared>>) offsets(%arg11 : memref<128xi32, #tpu.memory_space<vmem>>) semaphore(%run_scoped3A : memref<!tpu.dma_semaphore, #tpu.memory_space<semaphore_mem>>) {add = true}
      %dma_wait3A_340 = arith.constant 0 : i32
      %dma_wait3A_341 = arith.constant 0 : i32
      %dma_wait3A_342 = tpu.memref_slice %arg16[%dma_wait3A_340, %dma_wait3A_341] : memref<10112x128xf32, #tpu.memory_space<vmem_shared>> -> memref<10112x128xf32, #tpu.memory_space<vmem_shared>>
      tpu.wait_indirect_dma semaphore(%run_scoped3A : memref<!tpu.dma_semaphore, #tpu.memory_space<semaphore_mem>>) src(%arg14 : memref<128x128xf32, #tpu.memory_space<vmem>>) dst(%dma_wait3A_342 : memref<10112x128xf32, #tpu.memory_space<vmem_shared>>)
      tpu.yield
    }) : () -> ()
    %barrier3A_336 = arith.constant 0 : index
    tpu.barrier barrier_id(%barrier3A_336)
    "tpu.region"() ({
      %run_scoped3A = tpu.sem_alloc : memref<!tpu.dma_semaphore, #tpu.memory_space<semaphore_mem>>
      %dma_start3A_337 = arith.constant 0 : i32
      %dma_start3A_338 = arith.constant 0 : i32
      %dma_start3A_339 = tpu.memref_slice %arg6[%arg0, %dma_start3A_337, %dma_start3A_338] : memref<2x10112x128xf32, #tpu.memory_space<hbm>> -> memref<1x10112x128xf32, #tpu.memory_space<hbm>>
      %dma_start3A_340 = tpu.memref_squeeze %dma_start3A_339 : memref<1x10112x128xf32, #tpu.memory_space<hbm>> -> memref<10112x128xf32, #tpu.memory_space<hbm>>
      %dma_start3A_341 = arith.constant 0 : i32
      %dma_start3A_342 = tpu.memref_slice %dma_start3A_340[%mul3A_2, %dma_start3A_341] : memref<10112x128xf32, #tpu.memory_space<hbm>> -> memref<632x128xf32, #tpu.memory_space<hbm>>
      %dma_start3A_343 = arith.constant 0 : i32
      %dma_start3A_344 = tpu.memref_slice %arg16[%mul3A_2, %dma_start3A_343] : memref<10112x128xf32, #tpu.memory_space<vmem_shared>> -> memref<632x128xf32, #tpu.memory_space<vmem_shared>>
      tpu.enqueue_dma source(%dma_start3A_344 : memref<632x128xf32, #tpu.memory_space<vmem_shared>>) target(%dma_start3A_342 : memref<632x128xf32, #tpu.memory_space<hbm>>) target_semaphore(%run_scoped3A : memref<!tpu.dma_semaphore, #tpu.memory_space<semaphore_mem>>)
      %dma_wait3A_345 = arith.constant 0 : i32
      %dma_wait3A_346 = arith.constant 0 : i32
      %dma_wait3A_347 = tpu.memref_slice %arg6[%arg0, %dma_wait3A_345, %dma_wait3A_346] : memref<2x10112x128xf32, #tpu.memory_space<hbm>> -> memref<1x10112x128xf32, #tpu.memory_space<hbm>>
      %dma_wait3A_348 = tpu.memref_squeeze %dma_wait3A_347 : memref<1x10112x128xf32, #tpu.memory_space<hbm>> -> memref<10112x128xf32, #tpu.memory_space<hbm>>
      %dma_wait3A_349 = arith.constant 0 : i32
      %dma_wait3A_350 = tpu.memref_slice %dma_wait3A_348[%mul3A_2, %dma_wait3A_349] : memref<10112x128xf32, #tpu.memory_space<hbm>> -> memref<632x128xf32, #tpu.memory_space<hbm>>
      %dma_wait3A_351 = arith.constant 0 : i32
      %dma_wait3A_352 = tpu.memref_slice %arg16[%mul3A_2, %dma_wait3A_351] : memref<10112x128xf32, #tpu.memory_space<vmem_shared>> -> memref<632x128xf32, #tpu.memory_space<vmem_shared>>
      tpu.wait_dma2 semaphore(%run_scoped3A : memref<!tpu.dma_semaphore, #tpu.memory_space<semaphore_mem>>) src(%dma_wait3A_352 : memref<632x128xf32, #tpu.memory_space<vmem_shared>>) dst(%dma_wait3A_350 : memref<632x128xf32, #tpu.memory_space<hbm>>)
      tpu.yield
    }) : () -> ()
    return
  }
}

#map = affine_map<(d0, d1) -> (0, 0, 0)>
#map1 = affine_map<(d0, d1) -> (0, 0)>
module attributes {stable_mosaic.version = 14 : i64} {
  func.func @_sc_hist(%arg0: i32, %arg1: i32, %arg2: memref<32x80x128xi32, #tpu.memory_space<hbm>>, %arg3: memref<2x10240xf32, #tpu.memory_space<hbm>>, %arg4: memref<80x128xi32, #tpu.memory_space<vmem>>, %arg5: memref<128xf32, #tpu.memory_space<vmem>>, %arg6: memref<640xf32, #tpu.memory_space<vmem>>, %arg7: memref<10240xf32, #tpu.memory_space<vmem_shared>>) attributes {dimension_semantics = [#tpu.dimension_semantics<core_parallel>, #tpu.dimension_semantics<subcore_parallel>], iteration_bounds = array<i64: 2, 16>, scalar_prefetch = 0 : i64, scratch_operands = 4 : i64, tpu.core_type = #tpu.core_type<sc_vector_subcore>, window_params = [{transform_indices = #map}, {transform_indices = #map1}]} {
    %mul3A = arith.constant 2 : i32
    %mul3A_0 = arith.muli %arg1, %mul3A : i32
    %add3A = arith.addi %mul3A_0, %arg0 : i32
    %scan3A = arith.constant 0 : i32
    %scan3A_1 = arith.constant 0 : i32
    %scan3A_2 = arith.constant 8 : i32
    %scan3A_3 = arith.addi %scan3A_1, %scan3A_2 : i32
    %scan3A_4 = arith.constant 1 : i32
    scf.for %scan3A_23 = %scan3A_1 to %scan3A_3 step %scan3A_4  : i32 {
      %broadcast_in_dim3A = arith.constant 1.000000e+00 : f32
      %broadcast_in_dim3A_24 = vector.broadcast %broadcast_in_dim3A : f32 to vector<16xf32>
      %mul3A_25 = arith.constant 16 : i32
      %mul3A_26 = arith.muli %scan3A_23, %mul3A_25 : i32
      %swap3A = arith.index_cast %mul3A_26 : i32 to index
      %swap3A_27 = tpu.vector_load %arg5[%swap3A] {strides = array<i32>} : memref<128xf32, #tpu.memory_space<vmem>>, vector<16xf32>,
      %swap3A_28 = vector.shape_cast %swap3A_27 : vector<16xf32> to vector<16xf32>
      %swap3A_29 = vector.shape_cast %broadcast_in_dim3A_24 : vector<16xf32> to vector<16xf32>
      tpu.vector_store %arg5[%swap3A], %swap3A_29 {strides = array<i32>} : memref<128xf32, #tpu.memory_space<vmem>>, vector<16xf32>,
    }
    %scan3A_5 = arith.constant 8 : i32
    %scan3A_6 = arith.constant 0 : i32
    %scan3A_7 = arith.constant 0 : i32
    %scan3A_8 = arith.constant 40 : i32
    %scan3A_9 = arith.addi %scan3A_7, %scan3A_8 : i32
    %scan3A_10 = arith.constant 1 : i32
    scf.for %scan3A_23 = %scan3A_7 to %scan3A_9 step %scan3A_10  : i32 {
      %broadcast_in_dim3A = arith.constant 0.000000e+00 : f32
      %broadcast_in_dim3A_24 = vector.broadcast %broadcast_in_dim3A : f32 to vector<16xf32>
      %mul3A_25 = arith.constant 16 : i32
      %mul3A_26 = arith.muli %scan3A_23, %mul3A_25 : i32
      %swap3A = arith.index_cast %mul3A_26 : i32 to index
      %swap3A_27 = tpu.vector_load %arg6[%swap3A] {strides = array<i32>} : memref<640xf32, #tpu.memory_space<vmem>>, vector<16xf32>,
      %swap3A_28 = vector.shape_cast %swap3A_27 : vector<16xf32> to vector<16xf32>
      %swap3A_29 = vector.shape_cast %broadcast_in_dim3A_24 : vector<16xf32> to vector<16xf32>
      tpu.vector_store %arg6[%swap3A], %swap3A_29 {strides = array<i32>} : memref<640xf32, #tpu.memory_space<vmem>>, vector<16xf32>,
    }
    %scan3A_11 = arith.constant 40 : i32
    %mul3A_12 = arith.constant 640 : i32
    %mul3A_13 = arith.muli %arg1, %mul3A_12 : i32
    "tpu.region"() ({
      %run_scoped3A = tpu.sem_alloc : memref<!tpu.dma_semaphore, #tpu.memory_space<semaphore_mem>>
      %dma_start3A = tpu.memref_slice %arg7[%mul3A_13] : memref<10240xf32, #tpu.memory_space<vmem_shared>> -> memref<640xf32, #tpu.memory_space<vmem_shared>>
      %dma_start3A_23 = tpu.memref_slice %arg7[%mul3A_13] : memref<10240xf32, #tpu.memory_space<vmem_shared>> -> memref<640xf32, #tpu.memory_space<vmem_shared>>
      tpu.enqueue_dma source(%arg6 : memref<640xf32, #tpu.memory_space<vmem>>) target(%dma_start3A_23 : memref<640xf32, #tpu.memory_space<vmem_shared>>) target_semaphore(%run_scoped3A : memref<!tpu.dma_semaphore, #tpu.memory_space<semaphore_mem>>)
      %dma_wait3A = tpu.memref_slice %arg7[%mul3A_13] : memref<10240xf32, #tpu.memory_space<vmem_shared>> -> memref<640xf32, #tpu.memory_space<vmem_shared>>
      %dma_wait3A_24 = tpu.memref_slice %arg7[%mul3A_13] : memref<10240xf32, #tpu.memory_space<vmem_shared>> -> memref<640xf32, #tpu.memory_space<vmem_shared>>
      tpu.wait_dma2 semaphore(%run_scoped3A : memref<!tpu.dma_semaphore, #tpu.memory_space<semaphore_mem>>) src(%arg6 : memref<640xf32, #tpu.memory_space<vmem>>) dst(%dma_wait3A_24 : memref<640xf32, #tpu.memory_space<vmem_shared>>)
      tpu.yield
    }) : () -> ()
    "tpu.region"() ({
      %run_scoped3A = tpu.sem_alloc : memref<!tpu.dma_semaphore, #tpu.memory_space<semaphore_mem>>
      %dma_start3A = arith.constant 0 : i32
      %dma_start3A_23 = arith.constant 0 : i32
      %dma_start3A_24 = tpu.memref_slice %arg2[%add3A, %dma_start3A, %dma_start3A_23] : memref<32x80x128xi32, #tpu.memory_space<hbm>> -> memref<1x80x128xi32, #tpu.memory_space<hbm>>
      %dma_start3A_25 = tpu.memref_squeeze %dma_start3A_24 : memref<1x80x128xi32, #tpu.memory_space<hbm>> -> memref<80x128xi32, #tpu.memory_space<hbm>>
      %dma_start3A_26 = arith.constant 0 : i32
      %dma_start3A_27 = arith.constant 0 : i32
      %dma_start3A_28 = tpu.memref_slice %arg2[%add3A, %dma_start3A_26, %dma_start3A_27] : memref<32x80x128xi32, #tpu.memory_space<hbm>> -> memref<1x80x128xi32, #tpu.memory_space<hbm>>
      %dma_start3A_29 = tpu.memref_squeeze %dma_start3A_28 : memref<1x80x128xi32, #tpu.memory_space<hbm>> -> memref<80x128xi32, #tpu.memory_space<hbm>>
      tpu.enqueue_dma source(%dma_start3A_29 : memref<80x128xi32, #tpu.memory_space<hbm>>) target(%arg4 : memref<80x128xi32, #tpu.memory_space<vmem>>) target_semaphore(%run_scoped3A : memref<!tpu.dma_semaphore, #tpu.memory_space<semaphore_mem>>)
      %dma_wait3A = arith.constant 0 : i32
      %dma_wait3A_30 = arith.constant 0 : i32
      %dma_wait3A_31 = tpu.memref_slice %arg2[%add3A, %dma_wait3A, %dma_wait3A_30] : memref<32x80x128xi32, #tpu.memory_space<hbm>> -> memref<1x80x128xi32, #tpu.memory_space<hbm>>
      %dma_wait3A_32 = tpu.memref_squeeze %dma_wait3A_31 : memref<1x80x128xi32, #tpu.memory_space<hbm>> -> memref<80x128xi32, #tpu.memory_space<hbm>>
      %dma_wait3A_33 = arith.constant 0 : i32
      %dma_wait3A_34 = arith.constant 0 : i32
      %dma_wait3A_35 = tpu.memref_slice %arg2[%add3A, %dma_wait3A_33, %dma_wait3A_34] : memref<32x80x128xi32, #tpu.memory_space<hbm>> -> memref<1x80x128xi32, #tpu.memory_space<hbm>>
      %dma_wait3A_36 = tpu.memref_squeeze %dma_wait3A_35 : memref<1x80x128xi32, #tpu.memory_space<hbm>> -> memref<80x128xi32, #tpu.memory_space<hbm>>
      tpu.wait_dma2 semaphore(%run_scoped3A : memref<!tpu.dma_semaphore, #tpu.memory_space<semaphore_mem>>) src(%dma_wait3A_36 : memref<80x128xi32, #tpu.memory_space<hbm>>) dst(%arg4 : memref<80x128xi32, #tpu.memory_space<vmem>>)
      tpu.yield
    }) : () -> ()
    %barrier3A = arith.constant 0 : index
    tpu.barrier barrier_id(%barrier3A)
    %scan3A_14 = arith.constant 0 : i32
    %scan3A_15 = arith.constant 0 : i32
    %scan3A_16 = arith.constant 80 : i32
    %scan3A_17 = arith.addi %scan3A_15, %scan3A_16 : i32
    %scan3A_18 = arith.constant 1 : i32
    scf.for %scan3A_23 = %scan3A_15 to %scan3A_17 step %scan3A_18  : i32 {
      "tpu.region"() ({
        %run_scoped3A = tpu.sem_alloc : memref<!tpu.dma_semaphore, #tpu.memory_space<semaphore_mem>>
        %dma_start3A = arith.constant 0 : i32
        %dma_start3A_24 = tpu.memref_slice %arg4[%scan3A_23, %dma_start3A] : memref<80x128xi32, #tpu.memory_space<vmem>> -> memref<1x128xi32, #tpu.memory_space<vmem>>
        %dma_start3A_25 = tpu.memref_squeeze %dma_start3A_24 : memref<1x128xi32, #tpu.memory_space<vmem>> -> memref<128xi32, #tpu.memory_space<vmem>>
        %dma_start3A_26 = arith.constant 0 : i32
        %dma_start3A_27 = tpu.memref_slice %arg7[%dma_start3A_26] : memref<10240xf32, #tpu.memory_space<vmem_shared>> -> memref<10240xf32, #tpu.memory_space<vmem_shared>>
        tpu.enqueue_indirect_dma source(%arg5 : memref<128xf32, #tpu.memory_space<vmem>>) target(%dma_start3A_27 : memref<10240xf32, #tpu.memory_space<vmem_shared>>) offsets(%dma_start3A_25 : memref<128xi32, #tpu.memory_space<vmem>>) semaphore(%run_scoped3A : memref<!tpu.dma_semaphore, #tpu.memory_space<semaphore_mem>>) {add = true}
        %dma_wait3A = arith.constant 0 : i32
        %dma_wait3A_28 = tpu.memref_slice %arg4[%scan3A_23, %dma_wait3A] : memref<80x128xi32, #tpu.memory_space<vmem>> -> memref<1x128xi32, #tpu.memory_space<vmem>>
        %dma_wait3A_29 = tpu.memref_squeeze %dma_wait3A_28 : memref<1x128xi32, #tpu.memory_space<vmem>> -> memref<128xi32, #tpu.memory_space<vmem>>
        %dma_wait3A_30 = arith.constant 0 : i32
        %dma_wait3A_31 = tpu.memref_slice %arg7[%dma_wait3A_30] : memref<10240xf32, #tpu.memory_space<vmem_shared>> -> memref<10240xf32, #tpu.memory_space<vmem_shared>>
        tpu.wait_indirect_dma semaphore(%run_scoped3A : memref<!tpu.dma_semaphore, #tpu.memory_space<semaphore_mem>>) src(%arg5 : memref<128xf32, #tpu.memory_space<vmem>>) dst(%dma_wait3A_31 : memref<10240xf32, #tpu.memory_space<vmem_shared>>)
        tpu.yield
      }) : () -> ()
    }
    %scan3A_19 = arith.constant 80 : i32
    %barrier3A_20 = arith.constant 0 : index
    tpu.barrier barrier_id(%barrier3A_20)
    %eq3A = arith.constant 0 : i32
    %eq3A_21 = arith.cmpi eq, %arg1, %eq3A : i32
    %convert_element_type3A = arith.extui %eq3A_21 : i1 to i32
    %cond3A = arith.constant 0 : i32
    %cond3A_22 = arith.cmpi ne, %convert_element_type3A, %cond3A : i32
    scf.if %cond3A_22 {
      "tpu.region"() ({
        %run_scoped3A = tpu.sem_alloc : memref<!tpu.dma_semaphore, #tpu.memory_space<semaphore_mem>>
        %dma_start3A = arith.constant 0 : i32
        %dma_start3A_23 = tpu.memref_slice %arg3[%arg0, %dma_start3A] : memref<2x10240xf32, #tpu.memory_space<hbm>> -> memref<1x10240xf32, #tpu.memory_space<hbm>>
        %dma_start3A_24 = tpu.memref_squeeze %dma_start3A_23 : memref<1x10240xf32, #tpu.memory_space<hbm>> -> memref<10240xf32, #tpu.memory_space<hbm>>
        tpu.enqueue_dma source(%arg7 : memref<10240xf32, #tpu.memory_space<vmem_shared>>) target(%dma_start3A_24 : memref<10240xf32, #tpu.memory_space<hbm>>) target_semaphore(%run_scoped3A : memref<!tpu.dma_semaphore, #tpu.memory_space<semaphore_mem>>)
        %dma_wait3A = arith.constant 0 : i32
        %dma_wait3A_25 = tpu.memref_slice %arg3[%arg0, %dma_wait3A] : memref<2x10240xf32, #tpu.memory_space<hbm>> -> memref<1x10240xf32, #tpu.memory_space<hbm>>
        %dma_wait3A_26 = tpu.memref_squeeze %dma_wait3A_25 : memref<1x10240xf32, #tpu.memory_space<hbm>> -> memref<10240xf32, #tpu.memory_space<hbm>>
        tpu.wait_dma2 semaphore(%run_scoped3A : memref<!tpu.dma_semaphore, #tpu.memory_space<semaphore_mem>>) src(%arg7 : memref<10240xf32, #tpu.memory_space<vmem_shared>>) dst(%dma_wait3A_26 : memref<10240xf32, #tpu.memory_space<hbm>>)
        tpu.yield
      }) : () -> ()
    } else {
    }
    return
  }
}

module attributes {stable_mosaic.version = 14 : i64} {
  func.func @_tc_transform_body(%arg0: memref<10000x128xf32, #tpu.memory_space<vmem>>, %arg1: memref<128x128xf32, #tpu.memory_space<vmem>>, %arg2: memref<2x10240xf32, #tpu.memory_space<vmem>>, %arg3: memref<10000x128xf32, #tpu.memory_space<vmem>>, %arg4: memref<10000xf32, #tpu.memory_space<vmem>>) attributes {dimension_semantics = [], scalar_prefetch = 0 : i64, scratch_operands = 0 : i64, tpu.core_type = #tpu.core_type<tc>} {
    %get3A = arith.constant 0 : index
    %get3A_0 = arith.constant 0 : index
    %get3A_1 = vector.load %arg2[%get3A, %get3A_0] : memref<2x10240xf32, #tpu.memory_space<vmem>>, vector<1x10000xf32>
    %get3A_2 = vector.shape_cast %get3A_1 : vector<1x10000xf32> to vector<10000xf32>
    %get3A_3 = arith.constant 1 : index
    %get3A_4 = arith.constant 0 : index
    %get3A_5 = vector.load %arg2[%get3A_3, %get3A_4] : memref<2x10240xf32, #tpu.memory_space<vmem>>, vector<1x10000xf32>
    %get3A_6 = vector.shape_cast %get3A_5 : vector<1x10000xf32> to vector<10000xf32>
    %add3A = arith.addf %get3A_2, %get3A_6 : vector<10000xf32>
    %add3A_7 = arith.constant 1.000000e+00 : f32
    %add3A_8 = vector.broadcast %add3A_7 : f32 to vector<10000xf32>
    %add3A_9 = arith.addf %add3A, %add3A_8 : vector<10000xf32>
    %rsqrt3A = math.rsqrt %add3A_9 : vector<10000xf32>
    %get3A_10 = arith.constant 0 : index
    %get3A_11 = arith.constant 0 : index
    %get3A_12 = vector.load %arg0[%get3A_10, %get3A_11] : memref<10000x128xf32, #tpu.memory_space<vmem>>, vector<10000x128xf32>
    %get3A_13 = arith.constant 0 : index
    %get3A_14 = arith.constant 0 : index
    %get3A_15 = vector.load %arg1[%get3A_13, %get3A_14] : memref<128x128xf32, #tpu.memory_space<vmem>>, vector<128x128xf32>
    %dot_general3A = arith.constant dense<0.000000e+00> : vector<10000x128xf32>
    %dot_general3A_16 = tpu.matmul %get3A_12, %get3A_15, %dot_general3A {dimension_numbers = #tpu.dot_dimension_numbers<[1], [0], [0], [1], [0, 0, 1, 1], [], []>, transpose_lhs_hint = false} : vector<10000x128xf32>, vector<128x128xf32>, vector<10000x128xf32> -> vector<10000x128xf32>
    %broadcast_in_dim3A = vector.shape_cast %rsqrt3A : vector<10000xf32> to vector<10000x1xf32>
    %mul3A = vector.broadcast %broadcast_in_dim3A : vector<10000x1xf32> to vector<10000x128xf32>
    %mul3A_17 = arith.mulf %dot_general3A_16, %mul3A : vector<10000x128xf32>
    %swap3A = arith.constant 0 : index
    %swap3A_18 = arith.constant 0 : index
    %swap3A_19 = vector.load %arg3[%swap3A, %swap3A_18] : memref<10000x128xf32, #tpu.memory_space<vmem>>, vector<10000x128xf32>
    tpu.vector_store %arg3[%swap3A, %swap3A_18], %mul3A_17 {strides = array<i32>} : memref<10000x128xf32, #tpu.memory_space<vmem>>, vector<10000x128xf32>,
    %swap3A_20 = arith.constant 0 : index
    %swap3A_21 = vector.load %arg4[%swap3A_20] : memref<10000xf32, #tpu.memory_space<vmem>>, vector<10000xf32>
    tpu.vector_store %arg4[%swap3A_20], %rsqrt3A {strides = array<i32>} : memref<10000xf32, #tpu.memory_space<vmem>>, vector<10000xf32>,
    return
  }
}

module attributes {stable_mosaic.version = 14 : i64} {
  func.func @_tc_final_body(%arg0: memref<2x10112x128xf32, #tpu.memory_space<vmem>>, %arg1: memref<10000x128xf32, #tpu.memory_space<vmem>>, %arg2: memref<10000xf32, #tpu.memory_space<vmem>>, %arg3: memref<128xf32, #tpu.memory_space<vmem>>, %arg4: memref<10000x128xf32, #tpu.memory_space<vmem>>) attributes {dimension_semantics = [], scalar_prefetch = 0 : i64, scratch_operands = 0 : i64, tpu.core_type = #tpu.core_type<tc>} {
    %get3A = arith.constant 0 : index
    %get3A_0 = arith.constant 0 : index
    %get3A_1 = arith.constant 0 : index
    %get3A_2 = vector.load %arg0[%get3A, %get3A_0, %get3A_1] : memref<2x10112x128xf32, #tpu.memory_space<vmem>>, vector<1x10000x128xf32>
    %get3A_3 = vector.shape_cast %get3A_2 : vector<1x10000x128xf32> to vector<10000x128xf32>
    %get3A_4 = arith.constant 1 : index
    %get3A_5 = arith.constant 0 : index
    %get3A_6 = arith.constant 0 : index
    %get3A_7 = vector.load %arg0[%get3A_4, %get3A_5, %get3A_6] : memref<2x10112x128xf32, #tpu.memory_space<vmem>>, vector<1x10000x128xf32>
    %get3A_8 = vector.shape_cast %get3A_7 : vector<1x10000x128xf32> to vector<10000x128xf32>
    %add3A = arith.addf %get3A_3, %get3A_8 : vector<10000x128xf32>
    %get3A_9 = arith.constant 0 : index
    %get3A_10 = arith.constant 0 : index
    %get3A_11 = vector.load %arg1[%get3A_9, %get3A_10] : memref<10000x128xf32, #tpu.memory_space<vmem>>, vector<10000x128xf32>
    %add3A_12 = arith.addf %add3A, %get3A_11 : vector<10000x128xf32>
    %get3A_13 = arith.constant 0 : index
    %get3A_14 = vector.load %arg2[%get3A_13] : memref<10000xf32, #tpu.memory_space<vmem>>, vector<10000xf32>
    %broadcast_in_dim3A = vector.shape_cast %get3A_14 : vector<10000xf32> to vector<10000x1xf32>
    %mul3A = vector.broadcast %broadcast_in_dim3A : vector<10000x1xf32> to vector<10000x128xf32>
    %mul3A_15 = arith.mulf %add3A_12, %mul3A : vector<10000x128xf32>
    %get3A_16 = arith.constant 0 : index
    %get3A_17 = vector.load %arg3[%get3A_16] : memref<128xf32, #tpu.memory_space<vmem>>, vector<128xf32>
    %broadcast_in_dim3A_18 = vector.shape_cast %get3A_17 : vector<128xf32> to vector<1x128xf32>
    %add3A_19 = vector.broadcast %broadcast_in_dim3A_18 : vector<1x128xf32> to vector<10000x128xf32>
    %add3A_20 = arith.addf %mul3A_15, %add3A_19 : vector<10000x128xf32>
    %max3A = arith.constant 0.000000e+00 : f32
    %max3A_21 = vector.broadcast %max3A : f32 to vector<10000x128xf32>
    %max3A_22 = arith.maximumf %add3A_20, %max3A_21 : vector<10000x128xf32>
    %swap3A = arith.constant 0 : index
    %swap3A_23 = arith.constant 0 : index
    %swap3A_24 = vector.load %arg4[%swap3A, %swap3A_23] : memref<10000x128xf32, #tpu.memory_space<vmem>>, vector<10000x128xf32>
    tpu.vector_store %arg4[%swap3A, %swap3A_23], %max3A_22 {strides = array<i32>} : memref<10000x128xf32, #tpu.memory_space<vmem>>, vector<10000x128xf32>,
    return
  }
}

</mosaic_0001>

<sc_bundles>
// kernel: kernel.6.cloned.1.call-start
scs
__scs_entry_jumppad:
0x0: {  	(pc) =	sbr.rel $0x88, $3  }
0x1: {  	(tag) =	ssettag $0x0;
	lr =	simm.s32 $0x1  }
0x2: {  	[smem:$0x3F9D] =	sst lr;
	_ =	strace $0xD0000000  }
0x3: {  	_ = 	snop  }
0x4: {  	_ = 	snop  }
0x5: {  	_ = 	snop  }
0x6: {  	_ = 	snop  }
0x7: {  	_ = 	snop  }
__scs_overlays_trampoline_lowered:
0x8: {  	[smem:$0x3FAC] =	sst s0  }
0x9: {  	[smem:$0x3FAD] =	sst s1  }
0xa: {  	[smem:$0x3FAE] =	sst s2  }
0xb: {  	[smem:$0x3FAF] =	sst s3  }
0xc: {  	[smem:$0x3FB0] =	sst s4  }
0xd: {  	[smem:$0x3FB1] =	sst s5  }
0xe: {  	[smem:$0x3FB2] =	sst s6  }
0xf: {  	[smem:$0x3FB3] =	sst s7  }
0x10: {  	[smem:$0x3FB4] =	sst s8  }
0x11: {  	[smem:$0x3FB5] =	sst s9;
	s0 =	simm.s32 @!p0 $0x0  }
0x12: {  	s1 =	sld [smem:$0x3F9B];
	s0 =	simm.s32 @p0 $0x1  }
0x13: {  	[smem:$0x3FB6] =	sst s0;
	s0 =	simm.s32 @!p1 $0x0  }
0x14: {  	s2 =	sld [smem:$0x3F9A];
	s0 =	simm.s32 @p1 $0x1  }
0x15: {  	[smem:$0x3FB7] =	sst s0;
	s0 =	simm.s32 @!p2 $0x0  }
0x16: {  	s3 =	sld [smem:$0x3FDB];
	s0 =	simm.s32 @p2 $0x1  }
0x17: {  	s4 =	simm.s32 $0x1BF5;
	[smem:$0x3FB9] =	sst s0  }
0x18: {  	s0 =	sld [smem:$0x3F9C];
	_ =	swait.ge [sflag:s4], $0x0  }
0x19: {  	s7 =	sld [smem:$0x3F9D]  }
0x1a: {  	s8 =	sadd.s32 $0xFFFFE003, lr  }
0x1b: {  	s9 =	sadd.s32 $0xFFFFFEF7, lr;
	s5 =	simm.s32 $0xFFFFFFFF;
	p2 =	slt.u32 s8, $0xFFFFF086  }
0x1c: {  	p1 =	slt.u32 s9, $0xF7A;
	s5 =	simm.s32 @!p2 $0x0  }
0x1d: {  	s5 =	simm.s32 @p1 $0x1;
	p0 =	seq.s32 s7, s2  }
0x1e: {  	s7 =	smul.u32 @!p0 $0xF7A, s2;
	p2 =	seq.s32 @!p0 s5, $0x0  }
0x1f: {  	s9 =	smul.u32 $0xF7A, s1;
	s8 =	simm.s32 @!p0 $0x1BF5;
	p2 =	por !p2, p0  }
0x20: {  	[sflag:s8] =	ssyncset.s32 @!p0 $0xFFFFF086;
	s6 =	sadd.s32 @!p0 s3, s7;
	s7 =	simm.s32 @!p0 $0x108  }
0x21: {  	s3 =	sadd.s32 s3, s9;
	s6 =	sadd.s32 @!p0 $0x88, s6;
	s7 =	simm.s32 @p2 $0x1082  }
0x22: {  	[simem:s7], [sflag:s8] =	dma.local @!p0 [hbm:s6], $0xF7A  }
0x23: {  	s9 =	sor.u32 $0xD0000000, s2;
	s6 =	simm.s32 $0x108;
	_ =	swait.ge @!p0 [sflag:s8], $0x0  }
0x24: {  	s3 =	sadd.s32 $0x88, s3;
	s6 =	simm.s32 @!p1 $0x1082;
	[sflag:s4] =	ssyncset.s32 $0xFFFFF086  }
0x25: {  	[simem:s6], [sflag:s4] =	dma.local [hbm:s3], $0xF7A  }
0x26: {  	[smem:$0x3F9D] =	sst s1;
	(tag) =	ssettag s2;
	_ =	strace s9  }
0x27: {  	s1 =	sld [smem:$0x3FAD]  }
0x28: {  	s2 =	sld [smem:$0x3FAE]  }
0x29: {  	s4 =	sld [smem:$0x3FB0]  }
0x2a: {  	p0 =	seq.s32 s5, $0x0;
	s5 =	sld [smem:$0x3FB1]  }
0x2b: {  	s6 =	sld [smem:$0x3FB2]  }
0x2c: {  	s7 =	sld [smem:$0x3FB3]  }
0x2d: {  	s3 =	simm.s32 $0x108;
	s8 =	sld [smem:$0x3FB4]  }
0x2e: {  	s3 =	simm.s32 @!p0 $0x1082;
	s9 =	sld [smem:$0x3FB5]  }
0x2f: {  	lr =	sadd.s32 s0, s3;
	s0 =	sld [smem:$0x3FAC]  }
0x30: {  	s3 =	sld [smem:$0x3FAF]  }
0x31: {  	[smem:$0x3FB8] =	sst s10  }
0x32: {  	s10 =	sld [smem:$0x3FB6];
	_ =	sdelay $0x3  }
0x33: {  	p0 =	seq.s32 s10, $0x1;
	s10 =	sld [smem:$0x3FB8];
	_ =	sdelay $0x3  }
0x34: {  	[smem:$0x3FB8] =	sst s10  }
0x35: {  	s10 =	sld [smem:$0x3FB7];
	_ =	sdelay $0x3  }
0x36: {  	p1 =	seq.s32 s10, $0x1;
	s10 =	sld [smem:$0x3FB8];
	_ =	sdelay $0x3  }
0x37: {  	[smem:$0x3FB8] =	sst s10  }
0x38: {  	s10 =	sld [smem:$0x3FB9]  }
0x39: {  	_ = 	snop;
	(pc) =	sbr.ind lr, $3  }
0x3a: {  	_ = 	snop  }
0x3b: {  	_ = 	snop  }
0x3c: {  	p2 =	seq.s32 s10, $0x1;
	s10 =	sld [smem:$0x3FB8]  }
0x3d: {  	_ =	shalt  }
0x3e: {  	_ =	shalt  }
0x3f: {  	_ =	shalt  }
0x40: {  	_ =	shalt  }
0x41: {  	_ =	shalt  }
0x42: {  	_ =	shalt  }
0x43: {  	_ =	shalt  }
0x44: {  	_ =	shalt  }
0x45: {  	_ =	shalt  }
0x46: {  	_ =	shalt  }
0x47: {  	_ =	shalt  }
0x48: {  	_ =	shalt  }
0x49: {  	_ =	shalt  }
0x4a: {  	_ =	shalt  }
0x4b: {  	_ =	shalt  }
0x4c: {  	_ =	shalt  }
0x4d: {  	_ =	shalt  }
0x4e: {  	_ =	shalt  }
0x4f: {  	_ =	shalt  }
0x50: {  	_ =	shalt  }
0x51: {  	_ =	shalt  }
0x52: {  	_ =	shalt  }
0x53: {  	_ =	shalt  }
0x54: {  	_ =	shalt  }
0x55: {  	_ =	shalt  }
0x56: {  	_ =	shalt  }
0x57: {  	_ =	shalt  }
0x58: {  	_ =	shalt  }
0x59: {  	_ =	shalt  }
0x5a: {  	_ =	shalt  }
0x5b: {  	_ =	shalt  }
0x5c: {  	_ =	shalt  }
0x5d: {  	_ =	shalt  }
0x5e: {  	_ =	shalt  }
0x5f: {  	_ =	shalt  }
0x60: {  	_ =	shalt  }
0x61: {  	_ =	shalt  }
0x62: {  	_ =	shalt  }
0x63: {  	_ =	shalt  }
0x64: {  	_ =	shalt  }
0x65: {  	_ =	shalt  }
0x66: {  	_ =	shalt  }
0x67: {  	_ =	shalt  }
0x68: {  	_ =	shalt  }
0x69: {  	_ =	shalt  }
0x6a: {  	_ =	shalt  }
0x6b: {  	_ =	shalt  }
0x6c: {  	_ =	shalt  }
0x6d: {  	_ =	shalt  }
0x6e: {  	_ =	shalt  }
0x6f: {  	_ =	shalt  }
0x70: {  	_ =	shalt  }
0x71: {  	_ =	shalt  }
0x72: {  	_ =	shalt  }
0x73: {  	_ =	shalt  }
0x74: {  	_ =	shalt  }
0x75: {  	_ =	shalt  }
0x76: {  	_ =	shalt  }
0x77: {  	_ =	shalt  }
0x78: {  	_ =	shalt  }
0x79: {  	_ =	shalt  }
0x7a: {  	_ =	shalt  }
0x7b: {  	_ =	shalt  }
0x7c: {  	_ =	shalt  }
0x7d: {  	_ =	shalt  }
0x7e: {  	_ =	shalt  }
0x7f: {  	_ =	shalt  }
0x80: {  	_ =	shalt  }
0x81: {  	_ =	shalt  }
0x82: {  	_ =	shalt  }
0x83: {  	_ =	shalt  }
0x84: {  	_ =	shalt  }
0x85: {  	_ =	shalt  }
0x86: {  	_ =	shalt  }
0x87: {  	_ =	shalt  }
.Lfunc_end0:
.L_simem_size_0:
called_computation_lowered:
.L_overlay_start_0:
0x88: {  	s2 =	sld [smem:$0x3FD9]  }
0x89: {  	s3 =	sld [smem:$0x3FFE];
	_ =	sdelay $0x1  }
0x8a: {  	s1 =	srdreg.scid  }
0x8b: {  	s0 =	sand.u32 $0x1, s1  }
0x8c: {  	s17 =	sshll.u32 s0, $0xA;
	s2 =	sadd.s32 s3, s2  }
0x8d: {  	s2 =	sadd.s32 s2, s17  }
0x8e: {  	[smem:$0x3FC4] =	sst s2  }
0x8f: {  	_ = 	snop  }
0x90: {  	s2 =	sld [smem:$0x3FD0];
	(tm) =	ssettm $0x1  }
0x91: {  	s18 =	sld [smem:$0x3FFB];
	_ =	sdelay $0x3  }
0x92: {  	_ =	strace s18  }
0x93: {  	s3 =	sld [smem:$0x3FFC];
	_ =	sdelay $0x3  }
0x94: {  	_ =	strace s3  }
0x95: {  	s3 =	sld [smem:$0x3FFD];
	_ =	sdelay $0x3  }
0x96: {  	_ =	strace s3  }
0x97: {  	_ =	strace $0x8FFFFFFF  }
0x98: {  	s19 =	sld [smem:$0x3FDB];
	_ =	sdelay $0x1  }
0x99: {  	s4 =	simm.s32 $_scs_section_size  }
0x9a: {  	s5 =	simm.s32 $_size__tile_overlayer_lowered;
	s6 =	simm.s32 $_tile_overlayer_lowered  }
0x9b: {  	s22 =	simm.s32 $0x1BFF;
	s21 =	sshll.u32 s6, $0x1;
	s3 =	sadd.s32 s4, s19  }
0x9c: {  	s7 =	simm.s32 $0x0;
	s20 =	sshll.u32 s5, $0x1;
	s5 =	sadd.s32 s21, s3  }
0x9d: {  	[timem:s7], [sflag:s22] =	dma.local [hbm:s5], s20  }
0x9e: {  	_ =	swait.ge [sflag:s22], s20  }
0x9f: {  	s4 =	ssub.s32 $0x0, s20;
	[sflag:s22] =	ssyncset.done $0x0  }
0xa0: {  	[sflag:s22] =	ssyncadd.s32 s4;
	_ =	sdelay $0x1  }
0xa1: {  	s23 =	simm.s32 $0x1B8B  }
0xa2: {  	_ =	swait.ge [sflag:s23], $0x1  }
0xa3: {  	[sflag:s23] =	ssyncset.done $0x0  }
0xa4: {  	s25 =	simm.s32 $0x1B8E;
	s24 =	sld [smem:$0x3FFE];
	[sflag:s23] =	ssyncadd.s32 $0xFFFFFFFF  }
0xa5: {  	s26 =	simm.s32 $execute0_lowered;
	[smem:$0x3FD2] =	sst s25  }
0xa6: {  	s5 =	sshll.u32 s26, $0x1;
	_ =	strace $0x80000046;
	[dreg:$0x1] =	wrdreg $0xFFFFFFFF  }
0xa7: {  	s28 =	simm.s32 $_size_execute0_lowered;
	s3 =	sadd.s32 s3, s5;
	[dreg:$0x0] =	wrdreg $0x0  }
0xa8: {  	s5 =	sshll.u32 s28, $0x1;
	[dreg:$0x2] =	wrdreg s3  }
0xa9: {  	[dreg:$0x3] =	wrdreg s5  }
0xaa: {  	[dreg:$0x4] =	wrdreg $0xC0  }
0xab: {  	_ =	task [dreg:s7], $0x5FFFF  }
0xac: {  	[dreg:$0x1] =	wrdreg $0xFFFFFFFF  }
0xad: {  	[dreg:$0x0] =	wrdreg $0x60  }
0xae: {  	[dreg:$0x2] =	wrdreg s24  }
0xaf: {  	[dreg:$0x3] =	wrdreg s2  }
0xb0: {  	[dreg:$0x4] =	wrdreg $0x2B000  }
0xb1: {  	[dreg:$0x5] =	wrdreg $0x9  }
0xb2: {  	_ =	task.clear_ibuf [dreg:s7], $0x6FFFF;
	_ =	strace $0x90000046  }
0xb3: {  	s29 =	simm.s32 $0x9;
	_ =	strace $0x80000048  }
0xb4: {  	_ =	swait.ge [sflag:s29], $0x1  }
0xb5: {  	[sflag:s29] =	ssyncadd.s32 $0xFFFFFFFF  }
0xb6: {  	_ =	strace $0x90000048  }
0xb7: {  	_ =	sfence  }
0xb8: {  	s30 =	sld [smem:$0x0];
	_ =	sdelay $0x2  }
0xb9: {  	s31 =	sshll.u32 s1, $0xD;
	s1 =	sshrl.u32 s1, $0x2  }
0xba: {  	s3 =	sand.u32 $0x4000, s31;
	s1 =	sadd.s32 s1, s30  }
0xbb: {  	s0 =	sor.u32 s3, s0;
	s1 =	sshll.u32 s1, $0x11  }
0xbc: {  	s0 =	sor.u32 s1, s0  }
0xbd: {  	s0 =	sadd.s32 $0x8F2B, s0  }
0xbe: {  	[sflag:s0] =	ssyncadd.remote.s32 $0x1  }
0xbf: {  	_ =	sfence.sel $0xFFFF  }
0xc0: {  	[dreg:$0x0] =	wrdreg $0xFFFFFFFF;
	(pc) =	sbr.abs _section_cstart, $3  }
0xc1: {  	[dreg:$0x1] =	wrdreg $0xFFFFFFFF  }
0xc2: {  	_ =	task.clear_ibuf [dreg:s7], $0x2FFFF;
	_ =	strace $0x9FFFFFFF  }
0xc3: {  	(tm) =	ssettm $0x7FFFFFFF  }
tec
execute0_lowered:
.L_overlay_start_1:
0x0: {  	(tag) =	ssettag $0x1  }
0x1: {  	s3 =	rddreg [dreg:$0x0];
	s0 =	srdreg.scid  }
0x2: {  	s10 =	stileid.u32;
	s5 =	rddreg [dreg:$0x1]  }
0x3: {  	s1 =	rddreg [dreg:$0x2];
	s2 =	simm.s32 $0x0;
	s12 =	simm.s32 $0x0  }
0x4: {  	s6 =	sand.u32 $0x1, s0;
	s30 =	sshll.u32 s10, $0x1;
	s0 =	rddreg [dreg:$0x3]  }
0x5: {  	[smem:$0x7FF] =	sst s2;
	s8 =	smul.u32 $0xA00, s10;
	p0 =	sne.s32 s10, $0x0  }
0x6: {  	s10 =	simm.s32 $0x2800;
	s4 =	sor.u32 s6, s30;
	s7 =	ssub.s32 $0x2, s6  }
0x7: {  	_ =	strace $0x80000047;
	s6 =	sshll.u32 s6, $0x4;
	s11 =	sshrl.u32 @!p0 s1, $0x3  }
0x8: {  	s4 =	smul.u32 $0x500, s4;
	s9 =	sshrl.u32 s7, $0x1;
	s31 =	sshrl.u32 s8, $0x2  }
0x9: {  	s5 =	sadd.s32 s5, s6;
	s8 =	simm.s32 $0x1;
	s7 =	ssub.s32 s7, s9  }
0xa: {  	s9 =	simm.s32 $0x80;
	s4 =	sadd.s32 s4, s3;
	s3 =	sadd.s32 s31, s1  }
0xb: {  	v0 =	vimm.f32 $1.000000000e+00;
	v1 =	vimm.f32 $0.0e+00;
	s6 =	smax.u32 s7, $0x1;
	s7 =	simm.s32 $0x2880;
	s4 =	sadd.s32 $0x1800, s4  }
.LBB2_1:
0xc: {  	[tilespmem:$0x2800] =	vst v0  }
0xd: {  	[tilespmem:$0x2810] =	vst v0  }
0xe: {  	[tilespmem:$0x2820] =	vst v0  }
0xf: {  	[tilespmem:$0x2830] =	vst v0  }
0x10: {  	[tilespmem:$0x2840] =	vst v0  }
0x11: {  	[tilespmem:$0x2850] =	vst v0  }
0x12: {  	[tilespmem:$0x2860] =	vst v0  }
0x13: {  	[tilespmem:$0x2870] =	vst v0  }
0x14: {  	[tilespmem:$0x2880] =	vst v1  }
0x15: {  	[tilespmem:$0x2890] =	vst v1  }
0x16: {  	[tilespmem:$0x28A0] =	vst v1  }
0x17: {  	[tilespmem:$0x28B0] =	vst v1  }
0x18: {  	[tilespmem:$0x28C0] =	vst v1  }
0x19: {  	[tilespmem:$0x28D0] =	vst v1  }
0x1a: {  	[tilespmem:$0x28E0] =	vst v1  }
0x1b: {  	[tilespmem:$0x28F0] =	vst v1  }
0x1c: {  	[tilespmem:$0x2900] =	vst v1  }
0x1d: {  	[tilespmem:$0x2910] =	vst v1  }
0x1e: {  	[tilespmem:$0x2920] =	vst v1  }
0x1f: {  	[tilespmem:$0x2930] =	vst v1  }
0x20: {  	[tilespmem:$0x2940] =	vst v1  }
0x21: {  	[tilespmem:$0x2950] =	vst v1  }
0x22: {  	[tilespmem:$0x2960] =	vst v1  }
0x23: {  	[tilespmem:$0x2970] =	vst v1  }
0x24: {  	[tilespmem:$0x2980] =	vst v1  }
0x25: {  	[tilespmem:$0x2990] =	vst v1  }
0x26: {  	[tilespmem:$0x29A0] =	vst v1  }
0x27: {  	[tilespmem:$0x29B0] =	vst v1  }
0x28: {  	[tilespmem:$0x29C0] =	vst v1  }
0x29: {  	[tilespmem:$0x29D0] =	vst v1  }
0x2a: {  	[tilespmem:$0x29E0] =	vst v1  }
0x2b: {  	[tilespmem:$0x29F0] =	vst v1  }
0x2c: {  	[tilespmem:$0x2A00] =	vst v1  }
0x2d: {  	[tilespmem:$0x2A10] =	vst v1  }
0x2e: {  	[tilespmem:$0x2A20] =	vst v1  }
0x2f: {  	[tilespmem:$0x2A30] =	vst v1  }
0x30: {  	[tilespmem:$0x2A40] =	vst v1  }
0x31: {  	[tilespmem:$0x2A50] =	vst v1  }
0x32: {  	[tilespmem:$0x2A60] =	vst v1  }
0x33: {  	[tilespmem:$0x2A70] =	vst v1  }
0x34: {  	[tilespmem:$0x2A80] =	vst v1  }
0x35: {  	[tilespmem:$0x2A90] =	vst v1  }
0x36: {  	[tilespmem:$0x2AA0] =	vst v1  }
0x37: {  	[tilespmem:$0x2AB0] =	vst v1  }
0x38: {  	[tilespmem:$0x2AC0] =	vst v1  }
0x39: {  	[tilespmem:$0x2AD0] =	vst v1  }
0x3a: {  	[tilespmem:$0x2AE0] =	vst v1  }
0x3b: {  	[tilespmem:$0x2AF0] =	vst v1  }
0x3c: {  	[spmem:s3] =	stream.linear.scatter [tilespmem:s7], [sflag:$0x1], $0x280, $0x38;
	[tilespmem:$0x2D80] =	vst v63  }
0x3d: {  	_ =	swait.ge [sflag:s8], $0x280  }
0x3e: {  	[sflag:s8] =	ssyncset.done $0x0  }
0x3f: {  	[sflag:s8] =	ssyncadd.s32 $0xFFFFFD80  }
0x40: {  	[tilespmem:s2], [sflag:$0x1] =	stream.linear.gather [hbm4b:s4+s2], $0x2800, $0x38;
	[tilespmem:$0x2D80] =	vst v63  }
0x41: {  	_ =	swait.ge [sflag:s8], $0x2800  }
0x42: {  	[sflag:s8] =	ssyncset.done $0x0  }
0x43: {  	[sflag:s8] =	ssyncadd.s32 $0xFFFFD800  }
0x44: {  	s13 =	simm.s32 $0x0;
	[bflag:$0x0] =	sbarrier.arrive $0xFFFF  }
0x45: {  	[spmem:s1] =	stream.indirect.scatter.add.f32 [tilespmem:s10], [sflag:$0x1], $0x1, s13, s9, $0xb8;
	[tilespmem:$0x2D80] =	vst v63  }
0x46: {  	_ =	swait.ge [sflag:s8], $0x80  }
0x47: {  	s13 =	simm.s32 $0x200;
	[sflag:s8] =	ssyncset.done $0x0  }
.LBB2_2:
0x48: {  	s14 =	sshra.s32 s13, $0x2;
	[sflag:s8] =	ssyncadd.s32 $0xFFFFFF80;
	p1 =	sne.s32 s13, $0x9E00  }
0x49: {  	[spmem:s1] =	stream.indirect.scatter.add.f32 [tilespmem:s10], [sflag:$0x1], $0x1, s14, s9, $0xb8;
	[tilespmem:$0x2D80] =	vst v63  }
.Ltmp0:
0x4a: {  	_ = 	snop;
	(pc) =	sbr.rel @p1 .LBB2_2-.Ltmp0, $4  }
0x4b: {  	_ = 	snop  }
0x4c: {  	s13 =	sadd.s32 $0x200, s13  }
0x4d: {  	_ =	swait.ge [sflag:s8], $0x80  }
0x4e: {  	[sflag:s8] =	ssyncset.done $0x0  }
0x4f: {  	[sflag:s8] =	ssyncadd.s32 $0xFFFFFF80;
	s13 =	simm.s32 @!p0 $0x1;
	s12 =	sadd.s32 $0x1, s12  }
0x50: {  	s14 =	simm.s32 @!p0 $0x20;
	s15 =	simm.s32 @!p0 $0x10;
	p1 =	sne.s32 s12, s6  }
.Ltmp1:
0x51: {  	s16 =	simm.s32 @!p0 $0x1C01;
	[bflag:$0x0] =	sbarrier.arrive $0xFFFF;
	(pc) =	sbr.rel @p1 .LBB2_1-.Ltmp1, $4  }
0x52: {  	[hbm:s5@s14], [sflag:s16] =	dma.strided @!p0 [spmem:s11@s15], $0x500, s13, $0x10   }
0x53: {  	_ =	swait.ge @!p0 [sflag:s13], $0x500  }
0x54: {  	[sflag:s13] =	ssyncset.done @!p0 $0x0  }
0x55: {  	[sflag:s13] =	ssyncadd.s32 @!p0 $0xFFFFFB00  }
0x56: {  	_ =	sfence.sel $0x180000  }
0x57: {  	[bflag:$0x0] =	sbarrier.arrive $0xFFFF  }
0x58: {  	_ =	strace $0x90000047  }
0x59: {  	s0 =	sadd.s32 @!p0 $0x100000, s0;
	[bflag:$0x2] =	sbarrier.arrive $0xFFFF  }
0x5a: {  	[sflag:s0] =	ssyncadd.tile.s32 @!p0 $0x1;
	_ =	shalt  }
.Lfunc_end2:
_tile_overlayer_lowered:
.L_overlay_start_2:
0x5b: {  	(tag) =	ssettag $0x2  }
0x5c: {  	s0 =	rddreg [dreg:$0x0];
	s2 =	stileid.u32  }
0x5d: {  	s1 =	rddreg [dreg:$0x1];
	p0 =	sne.s32 s2, $0x0  }
0x5e: {  	s3 =	rddreg [dreg:$0x2];
	[bflag:$0x3] =	sbarrier.arrive $0xFFFF;
	s2 =	simm.s32 @!p0 $0x1C01  }
0x5f: {  	[timem:s3], [sflag:s2] =	dma.local @!p0 [hbm:s0], s1  }
0x60: {  	s0 =	simm.s32 @!p0 $0x1  }
0x61: {  	_ =	swait.ge @!p0 [sflag:s0], s1  }
0x62: {  	s1 =	ssub.s32 @!p0 $0x0, s1;
	[sflag:s0] =	ssyncset.done @!p0 $0x0  }
0x63: {  	[sflag:s0] =	ssyncadd.s32 @!p0 s1  }
0x64: {  	[bflag:$0x3] =	sbarrier.arrive $0xFFFF  }
0x65: {  	_ =	shalt  }

// kernel: kernel.9.cloned.1.call-start
scs
__scs_entry_jumppad:
0x0: {  	(pc) =	sbr.rel $0x88, $3  }
0x1: {  	(tag) =	ssettag $0x0;
	lr =	simm.s32 $0x1  }
0x2: {  	[smem:$0x3F9D] =	sst lr;
	_ =	strace $0xD0000000  }
0x3: {  	_ = 	snop  }
0x4: {  	_ = 	snop  }
0x5: {  	_ = 	snop  }
0x6: {  	_ = 	snop  }
0x7: {  	_ = 	snop  }
__scs_overlays_trampoline_lowered:
0x8: {  	[smem:$0x3FAC] =	sst s0  }
0x9: {  	[smem:$0x3FAD] =	sst s1  }
0xa: {  	[smem:$0x3FAE] =	sst s2  }
0xb: {  	[smem:$0x3FAF] =	sst s3  }
0xc: {  	[smem:$0x3FB0] =	sst s4  }
0xd: {  	[smem:$0x3FB1] =	sst s5  }
0xe: {  	[smem:$0x3FB2] =	sst s6  }
0xf: {  	[smem:$0x3FB3] =	sst s7  }
0x10: {  	[smem:$0x3FB4] =	sst s8  }
0x11: {  	[smem:$0x3FB5] =	sst s9;
	s0 =	simm.s32 @!p0 $0x0  }
0x12: {  	s1 =	sld [smem:$0x3F9B];
	s0 =	simm.s32 @p0 $0x1  }
0x13: {  	[smem:$0x3FB6] =	sst s0;
	s0 =	simm.s32 @!p1 $0x0  }
0x14: {  	s2 =	sld [smem:$0x3F9A];
	s0 =	simm.s32 @p1 $0x1  }
0x15: {  	[smem:$0x3FB7] =	sst s0;
	s0 =	simm.s32 @!p2 $0x0  }
0x16: {  	s3 =	sld [smem:$0x3FDB];
	s0 =	simm.s32 @p2 $0x1  }
0x17: {  	s4 =	simm.s32 $0x1BF5;
	[smem:$0x3FB9] =	sst s0  }
0x18: {  	s0 =	sld [smem:$0x3F9C];
	_ =	swait.ge [sflag:s4], $0x0  }
0x19: {  	s7 =	sld [smem:$0x3F9D]  }
0x1a: {  	s8 =	sadd.s32 $0xFFFFE003, lr  }
0x1b: {  	s9 =	sadd.s32 $0xFFFFFEF7, lr;
	s5 =	simm.s32 $0xFFFFFFFF;
	p2 =	slt.u32 s8, $0xFFFFF086  }
0x1c: {  	p1 =	slt.u32 s9, $0xF7A;
	s5 =	simm.s32 @!p2 $0x0  }
0x1d: {  	s5 =	simm.s32 @p1 $0x1;
	p0 =	seq.s32 s7, s2  }
0x1e: {  	s7 =	smul.u32 @!p0 $0xF7A, s2;
	p2 =	seq.s32 @!p0 s5, $0x0  }
0x1f: {  	s9 =	smul.u32 $0xF7A, s1;
	s8 =	simm.s32 @!p0 $0x1BF5;
	p2 =	por !p2, p0  }
0x20: {  	[sflag:s8] =	ssyncset.s32 @!p0 $0xFFFFF086;
	s6 =	sadd.s32 @!p0 s3, s7;
	s7 =	simm.s32 @!p0 $0x108  }
0x21: {  	s3 =	sadd.s32 s3, s9;
	s6 =	sadd.s32 @!p0 $0x88, s6;
	s7 =	simm.s32 @p2 $0x1082  }
0x22: {  	[simem:s7], [sflag:s8] =	dma.local @!p0 [hbm:s6], $0xF7A  }
0x23: {  	s9 =	sor.u32 $0xD0000000, s2;
	s6 =	simm.s32 $0x108;
	_ =	swait.ge @!p0 [sflag:s8], $0x0  }
0x24: {  	s3 =	sadd.s32 $0x88, s3;
	s6 =	simm.s32 @!p1 $0x1082;
	[sflag:s4] =	ssyncset.s32 $0xFFFFF086  }
0x25: {  	[simem:s6], [sflag:s4] =	dma.local [hbm:s3], $0xF7A  }
0x26: {  	[smem:$0x3F9D] =	sst s1;
	(tag) =	ssettag s2;
	_ =	strace s9  }
0x27: {  	s1 =	sld [smem:$0x3FAD]  }
0x28: {  	s2 =	sld [smem:$0x3FAE]  }
0x29: {  	s4 =	sld [smem:$0x3FB0]  }
0x2a: {  	p0 =	seq.s32 s5, $0x0;
	s5 =	sld [smem:$0x3FB1]  }
0x2b: {  	s6 =	sld [smem:$0x3FB2]  }
0x2c: {  	s7 =	sld [smem:$0x3FB3]  }
0x2d: {  	s3 =	simm.s32 $0x108;
	s8 =	sld [smem:$0x3FB4]  }
0x2e: {  	s3 =	simm.s32 @!p0 $0x1082;
	s9 =	sld [smem:$0x3FB5]  }
0x2f: {  	lr =	sadd.s32 s0, s3;
	s0 =	sld [smem:$0x3FAC]  }
0x30: {  	s3 =	sld [smem:$0x3FAF]  }
0x31: {  	[smem:$0x3FB8] =	sst s10  }
0x32: {  	s10 =	sld [smem:$0x3FB6];
	_ =	sdelay $0x3  }
0x33: {  	p0 =	seq.s32 s10, $0x1;
	s10 =	sld [smem:$0x3FB8];
	_ =	sdelay $0x3  }
0x34: {  	[smem:$0x3FB8] =	sst s10  }
0x35: {  	s10 =	sld [smem:$0x3FB7];
	_ =	sdelay $0x3  }
0x36: {  	p1 =	seq.s32 s10, $0x1;
	s10 =	sld [smem:$0x3FB8];
	_ =	sdelay $0x3  }
0x37: {  	[smem:$0x3FB8] =	sst s10  }
0x38: {  	s10 =	sld [smem:$0x3FB9]  }
0x39: {  	_ = 	snop;
	(pc) =	sbr.ind lr, $3  }
0x3a: {  	_ = 	snop  }
0x3b: {  	_ = 	snop  }
0x3c: {  	p2 =	seq.s32 s10, $0x1;
	s10 =	sld [smem:$0x3FB8]  }
0x3d: {  	_ =	shalt  }
0x3e: {  	_ =	shalt  }
0x3f: {  	_ =	shalt  }
0x40: {  	_ =	shalt  }
0x41: {  	_ =	shalt  }
0x42: {  	_ =	shalt  }
0x43: {  	_ =	shalt  }
0x44: {  	_ =	shalt  }
0x45: {  	_ =	shalt  }
0x46: {  	_ =	shalt  }
0x47: {  	_ =	shalt  }
0x48: {  	_ =	shalt  }
0x49: {  	_ =	shalt  }
0x4a: {  	_ =	shalt  }
0x4b: {  	_ =	shalt  }
0x4c: {  	_ =	shalt  }
0x4d: {  	_ =	shalt  }
0x4e: {  	_ =	shalt  }
0x4f: {  	_ =	shalt  }
0x50: {  	_ =	shalt  }
0x51: {  	_ =	shalt  }
0x52: {  	_ =	shalt  }
0x53: {  	_ =	shalt  }
0x54: {  	_ =	shalt  }
0x55: {  	_ =	shalt  }
0x56: {  	_ =	shalt  }
0x57: {  	_ =	shalt  }
0x58: {  	_ =	shalt  }
0x59: {  	_ =	shalt  }
0x5a: {  	_ =	shalt  }
0x5b: {  	_ =	shalt  }
0x5c: {  	_ =	shalt  }
0x5d: {  	_ =	shalt  }
0x5e: {  	_ =	shalt  }
0x5f: {  	_ =	shalt  }
0x60: {  	_ =	shalt  }
0x61: {  	_ =	shalt  }
0x62: {  	_ =	shalt  }
0x63: {  	_ =	shalt  }
0x64: {  	_ =	shalt  }
0x65: {  	_ =	shalt  }
0x66: {  	_ =	shalt  }
0x67: {  	_ =	shalt  }
0x68: {  	_ =	shalt  }
0x69: {  	_ =	shalt  }
0x6a: {  	_ =	shalt  }
0x6b: {  	_ =	shalt  }
0x6c: {  	_ =	shalt  }
0x6d: {  	_ =	shalt  }
0x6e: {  	_ =	shalt  }
0x6f: {  	_ =	shalt  }
0x70: {  	_ =	shalt  }
0x71: {  	_ =	shalt  }
0x72: {  	_ =	shalt  }
0x73: {  	_ =	shalt  }
0x74: {  	_ =	shalt  }
0x75: {  	_ =	shalt  }
0x76: {  	_ =	shalt  }
0x77: {  	_ =	shalt  }
0x78: {  	_ =	shalt  }
0x79: {  	_ =	shalt  }
0x7a: {  	_ =	shalt  }
0x7b: {  	_ =	shalt  }
0x7c: {  	_ =	shalt  }
0x7d: {  	_ =	shalt  }
0x7e: {  	_ =	shalt  }
0x7f: {  	_ =	shalt  }
0x80: {  	_ =	shalt  }
0x81: {  	_ =	shalt  }
0x82: {  	_ =	shalt  }
0x83: {  	_ =	shalt  }
0x84: {  	_ =	shalt  }
0x85: {  	_ =	shalt  }
0x86: {  	_ =	shalt  }
0x87: {  	_ =	shalt  }
.Lfunc_end0:
.L_simem_size_0:
called_computation.1_lowered:
.L_overlay_start_0:
0x88: {  	s2 =	sld [smem:$0x3FD9]  }
0x89: {  	s3 =	sld [smem:$0x3FFE];
	_ =	sdelay $0x1  }
0x8a: {  	s1 =	srdreg.scid  }
0x8b: {  	s0 =	sand.u32 $0x1, s1  }
0x8c: {  	s17 =	sshll.u32 s0, $0xA;
	s2 =	sadd.s32 s3, s2  }
0x8d: {  	s2 =	sadd.s32 s2, s17  }
0x8e: {  	[smem:$0x3FC4] =	sst s2  }
0x8f: {  	_ = 	snop  }
0x90: {  	s2 =	sld [smem:$0x3FD0];
	(tm) =	ssettm $0x1  }
0x91: {  	s18 =	sld [smem:$0x3FFB];
	_ =	sdelay $0x3  }
0x92: {  	_ =	strace s18  }
0x93: {  	s3 =	sld [smem:$0x3FFC];
	_ =	sdelay $0x3  }
0x94: {  	_ =	strace s3  }
0x95: {  	s3 =	sld [smem:$0x3FFD];
	_ =	sdelay $0x3  }
0x96: {  	_ =	strace s3  }
0x97: {  	_ =	strace $0x8FFFFFFF  }
0x98: {  	s19 =	sld [smem:$0x3FDB];
	_ =	sdelay $0x1  }
0x99: {  	s4 =	simm.s32 $_scs_section_size  }
0x9a: {  	s5 =	simm.s32 $_size__tile_overlayer_lowered;
	s6 =	simm.s32 $_tile_overlayer_lowered  }
0x9b: {  	s22 =	simm.s32 $0x1BFF;
	s21 =	sshll.u32 s6, $0x1;
	s3 =	sadd.s32 s4, s19  }
0x9c: {  	s7 =	simm.s32 $0x0;
	s20 =	sshll.u32 s5, $0x1;
	s5 =	sadd.s32 s21, s3  }
0x9d: {  	[timem:s7], [sflag:s22] =	dma.local [hbm:s5], s20  }
0x9e: {  	_ =	swait.ge [sflag:s22], s20  }
0x9f: {  	s4 =	ssub.s32 $0x0, s20;
	[sflag:s22] =	ssyncset.done $0x0  }
0xa0: {  	[sflag:s22] =	ssyncadd.s32 s4;
	_ =	sdelay $0x1  }
0xa1: {  	s23 =	simm.s32 $0x1B8B  }
0xa2: {  	_ =	swait.ge [sflag:s23], $0x1  }
0xa3: {  	[sflag:s23] =	ssyncset.done $0x0  }
0xa4: {  	s25 =	simm.s32 $0x1B8E;
	s24 =	sld [smem:$0x3FFE];
	[sflag:s23] =	ssyncadd.s32 $0xFFFFFFFF  }
0xa5: {  	s26 =	simm.s32 $execute0_lowered;
	[smem:$0x3FD2] =	sst s25  }
0xa6: {  	s5 =	sshll.u32 s26, $0x1;
	_ =	strace $0x80000049;
	[dreg:$0x1] =	wrdreg $0xFFFFFFFF  }
0xa7: {  	s28 =	simm.s32 $_size_execute0_lowered;
	s3 =	sadd.s32 s3, s5;
	[dreg:$0x0] =	wrdreg $0x0  }
0xa8: {  	s5 =	sshll.u32 s28, $0x1;
	[dreg:$0x2] =	wrdreg s3  }
0xa9: {  	[dreg:$0x3] =	wrdreg s5  }
0xaa: {  	[dreg:$0x4] =	wrdreg $0xC0  }
0xab: {  	_ =	task [dreg:s7], $0x5FFFF  }
0xac: {  	[dreg:$0x1] =	wrdreg $0xFFFFFFFF  }
0xad: {  	[dreg:$0x0] =	wrdreg $0x60  }
0xae: {  	[dreg:$0x2] =	wrdreg s2  }
0xaf: {  	[dreg:$0x3] =	wrdreg s24  }
0xb0: {  	[dreg:$0x4] =	wrdreg $0xC3000  }
0xb1: {  	[dreg:$0x5] =	wrdreg $0x9  }
0xb2: {  	_ =	task.clear_ibuf [dreg:s7], $0x6FFFF;
	_ =	strace $0x90000049  }
0xb3: {  	s29 =	simm.s32 $0x9;
	_ =	strace $0x8000004B  }
0xb4: {  	_ =	swait.ge [sflag:s29], $0x1  }
0xb5: {  	[sflag:s29] =	ssyncadd.s32 $0xFFFFFFFF  }
0xb6: {  	_ =	strace $0x9000004B  }
0xb7: {  	_ =	sfence  }
0xb8: {  	s30 =	sld [smem:$0x0];
	_ =	sdelay $0x2  }
0xb9: {  	s31 =	sshll.u32 s1, $0xD;
	s1 =	sshrl.u32 s1, $0x2  }
0xba: {  	s3 =	sand.u32 $0x4000, s31;
	s1 =	sadd.s32 s1, s30  }
0xbb: {  	s0 =	sor.u32 s3, s0;
	s1 =	sshll.u32 s1, $0x11  }
0xbc: {  	s0 =	sor.u32 s1, s0  }
0xbd: {  	s0 =	sadd.s32 $0x8F2B, s0  }
0xbe: {  	[sflag:s0] =	ssyncadd.remote.s32 $0x1  }
0xbf: {  	_ =	sfence.sel $0xFFFF  }
0xc0: {  	[dreg:$0x0] =	wrdreg $0xFFFFFFFF;
	(pc) =	sbr.abs _section_cstart, $3  }
0xc1: {  	[dreg:$0x1] =	wrdreg $0xFFFFFFFF  }
0xc2: {  	_ =	task.clear_ibuf [dreg:s7], $0x2FFFF;
	_ =	strace $0x9FFFFFFF  }
0xc3: {  	(tm) =	ssettm $0x7FFFFFFF  }
tec
execute0_lowered:
.L_overlay_start_1:
0x0: {  	(tag) =	ssettag $0x1  }
0x1: {  	s0 =	srdreg.scid;
	s1 =	rddreg [dreg:$0x0]  }
0x2: {  	s11 =	stileid.u32;
	s5 =	rddreg [dreg:$0x1]  }
0x3: {  	s3 =	rddreg [dreg:$0x2];
	s4 =	simm.s32 $0x0;
	s12 =	simm.s32 $0x180  }
0x4: {  	s14 =	simm.s32 $0x80;
	s16 =	simm.s32 $0x200;
	s18 =	simm.s32 $0x100  }
0x5: {  	s20 =	simm.s32 $0x280;
	s28 =	simm.s32 $0x8300;
	s29 =	simm.s32 $0x1  }
0x6: {  	s30 =	simm.s32 $0x2;
	s31 =	simm.s32 $0x3;
	s0 =	sand.u32 $0x1, s0  }
0x7: {  	s2 =	sshll.u32 s11, $0x1;
	s9 =	smul.u32 $0x2780, s11;
	[smem:$0x7FF] =	sst s4  }
0x8: {  	s7 =	smul.u32 $0x4F000, s11;
	s24 =	sshll.u32 s11, $0x6;
	s11 =	simm.s32 $0x7  }
0x9: {  	s2 =	sor.u32 s0, s2;
	s6 =	smul.u32 $0x27800, s0;
	s0 =	ssub.s32 $0x2, s0  }
0xa: {  	_ =	strace $0x8000004A;
	s2 =	smul.u32 $0x500, s2;
	s10 =	sshrl.u32 s0, $0x1  }
0xb: {  	s8 =	sadd.s32 s9, s5;
	s21 =	sshrl.u32 s7, $0x2;
	s0 =	ssub.s32 s0, s10  }
0xc: {  	s22 =	sadd.s32 s21, s3;
	s23 =	sadd.s32 $0x15800, s8;
	s21 =	simm.s32 $0x4  }
0xd: {  	s2 =	sadd.s32 s2, s5;
	s5 =	sadd.s32 s6, s5;
	[dreg:$0x4] =	wrdreg s23  }
0xe: {  	s6 =	sor.u32 $0x1C07, s24;
	s0 =	smax.u32 s0, $0x1;
	s10 =	sshrl.u32 s22, $0x3  }
0xf: {  	s22 =	simm.s32 $0x300;
	s23 =	simm.s32 $0x5;
	s7 =	sadd.s32 $0xB800, s2  }
0x10: {  	s8 =	sadd.s32 $0x1800, s2;
	s25 =	sadd.s32 $0x3D000, s5;
	[dreg:$0x5] =	wrdreg s0  }
0x11: {  	s2 =	simm.s32 $0x0;
	s26 =	sadd.s32 $0x10, s7;
	s15 =	sadd.s32 $0x10, s8  }
0x12: {  	s17 =	sadd.s32 $0x20, s7;
	s19 =	sadd.s32 $0x20, s8;
	s24 =	sadd.s32 s9, s25  }
0x13: {  	s25 =	simm.s32 $0x4300;
	[dreg:$0x6] =	wrdreg s26;
	s26 =	simm.s32 $0x6  }
.LBB2_1:
0x14: {  	s0 =	rddreg [dreg:$0x4]  }
0x15: {  	[spmem:s10], [sflag:s6] =	dma.local [hbm:s0], $0x2780  }
0x16: {  	_ =	swait.ge [sflag:s11], $0x2780  }
0x17: {  	[sflag:s11] =	ssyncset.done $0x0  }
0x18: {  	[sflag:s11] =	ssyncadd.s32 $0xFFFFD880  }
0x19: {  	[bflag:$0x0] =	sbarrier.arrive $0xFFFF  }
0x1a: {  	[tilespmem:s4], [sflag:$0x4] =	stream.linear.gather [hbm4b:s7+s4], $0x80, $0x38;
	[tilespmem:$0x1FF00] =	vst v63  }
0x1b: {  	_ = 	snop  }
0x1c: {  	[tilespmem:s12], [sflag:$0x4] =	stream.linear.gather [hbm4b:s8+s4], $0x80, $0x38;
	[tilespmem:$0x1FF00] =	vst v63  }
0x1d: {  	s9 =	rddreg [dreg:$0x6]  }
0x1e: {  	[tilespmem:s14], [sflag:$0x5] =	stream.linear.gather [hbm4b:s9+s4], $0x80, $0x38;
	[tilespmem:$0x1FF00] =	vst v63  }
0x1f: {  	_ = 	snop  }
0x20: {  	[tilespmem:s16], [sflag:$0x5] =	stream.linear.gather [hbm4b:s15+s4], $0x80, $0x38;
	[tilespmem:$0x1FF00] =	vst v63  }
0x21: {  	_ = 	snop  }
0x22: {  	[tilespmem:s18], [sflag:$0x6] =	stream.linear.gather [hbm4b:s17+s4], $0x80, $0x38;
	[tilespmem:$0x1FF00] =	vst v63  }
0x23: {  	_ = 	snop  }
0x24: {  	[tilespmem:s20], [sflag:$0x6] =	stream.linear.gather [hbm4b:s19+s4], $0x80, $0x38;
	[tilespmem:$0x1FF00] =	vst v63  }
0x25: {  	_ =	swait.ge [sflag:s21], $0x80  }
0x26: {  	[sflag:s21] =	ssyncset.done $0x0  }
0x27: {  	[sflag:s21] =	ssyncadd.s32 $0xFFFFFF80  }
0x28: {  	_ =	swait.ge [sflag:s21], $0x80  }
0x29: {  	[sflag:s21] =	ssyncset.done $0x0  }
0x2a: {  	[sflag:s21] =	ssyncadd.s32 $0xFFFFFF80  }
0x2b: {  	[tilespmem:s22], [sflag:$0x1] =	stream.indirect.gather [hbm4b:s1+s14], $0x80, s4, s14, $0xb8;
	[tilespmem:$0x1FF00] =	vst v63  }
0x2c: {  	_ =	swait.ge [sflag:s23], $0x80  }
0x2d: {  	[sflag:s23] =	ssyncset.done $0x0  }
0x2e: {  	[sflag:s23] =	ssyncadd.s32 $0xFFFFFF80  }
0x2f: {  	_ =	swait.ge [sflag:s23], $0x80  }
0x30: {  	[sflag:s23] =	ssyncset.done $0x0  }
0x31: {  	[sflag:s23] =	ssyncadd.s32 $0xFFFFFF80  }
0x32: {  	[tilespmem:s25], [sflag:$0x2] =	stream.indirect.gather [hbm4b:s1+s14], $0x80, s14, s14, $0xb8;
	[tilespmem:$0x1FF00] =	vst v63  }
0x33: {  	_ =	swait.ge [sflag:s26], $0x80  }
0x34: {  	[sflag:s26] =	ssyncset.done $0x0  }
0x35: {  	[sflag:s26] =	ssyncadd.s32 $0xFFFFFF80  }
0x36: {  	_ =	swait.ge [sflag:s26], $0x80  }
0x37: {  	[sflag:s26] =	ssyncset.done $0x0  }
0x38: {  	[sflag:s26] =	ssyncadd.s32 $0xFFFFFF80  }
0x39: {  	[tilespmem:s28], [sflag:$0x3] =	stream.indirect.gather [hbm4b:s1+s14], $0x80, s18, s14, $0xb8;
	[tilespmem:$0x1FF00] =	vst v63  }
0x3a: {  	_ =	swait.ge [sflag:s29], $0x4000  }
0x3b: {  	[sflag:s29] =	ssyncset.done $0x0  }
0x3c: {  	[sflag:s29] =	ssyncadd.s32 $0xFFFFC000  }
0x3d: {  	[spmem:s3] =	stream.indirect.scatter.add.f32 [tilespmem:s22], [sflag:$0x7], $0x80, s12, s14, $0xb8;
	[tilespmem:$0x1FF00] =	vst v63  }
0x3e: {  	_ =	swait.ge [sflag:s11], $0x4000  }
0x3f: {  	s0 =	sadd.s32 $0x0, s7;
	[sflag:s11] =	ssyncset.done $0x0  }
0x40: {  	s5 =	sadd.s32 $0x30, s0;
	s9 =	sadd.s32 $0x0, s8;
	[sflag:s11] =	ssyncadd.s32 $0xFFFFC000  }
0x41: {  	[tilespmem:s4], [sflag:$0x4] =	stream.linear.gather [hbm4b:s5+s4], $0x80, $0x38;
	[tilespmem:$0x1FF00] =	vst v63  }
0x42: {  	s13 =	sadd.s32 $0x30, s9  }
0x43: {  	[tilespmem:s12], [sflag:$0x4] =	stream.linear.gather [hbm4b:s13+s4], $0x80, $0x38;
	[tilespmem:$0x1FF00] =	vst v63  }
0x44: {  	_ =	swait.ge [sflag:s21], $0x80  }
0x45: {  	[sflag:s21] =	ssyncset.done $0x0  }
0x46: {  	[sflag:s21] =	ssyncadd.s32 $0xFFFFFF80  }
0x47: {  	_ =	swait.ge [sflag:s21], $0x80  }
0x48: {  	[sflag:s21] =	ssyncset.done $0x0  }
0x49: {  	[sflag:s21] =	ssyncadd.s32 $0xFFFFFF80  }
0x4a: {  	[tilespmem:s22], [sflag:$0x1] =	stream.indirect.gather [hbm4b:s1+s14], $0x80, s4, s14, $0xb8;
	[tilespmem:$0x1FF00] =	vst v63  }
0x4b: {  	_ =	swait.ge [sflag:s30], $0x4000  }
0x4c: {  	[sflag:s30] =	ssyncset.done $0x0  }
0x4d: {  	[sflag:s30] =	ssyncadd.s32 $0xFFFFC000  }
0x4e: {  	[spmem:s3] =	stream.indirect.scatter.add.f32 [tilespmem:s25], [sflag:$0x7], $0x80, s16, s14, $0xb8;
	[tilespmem:$0x1FF00] =	vst v63  }
0x4f: {  	_ =	swait.ge [sflag:s11], $0x4000  }
0x50: {  	[sflag:s11] =	ssyncset.done $0x0  }
0x51: {  	s13 =	sadd.s32 $0x40, s0;
	[sflag:s11] =	ssyncadd.s32 $0xFFFFC000  }
0x52: {  	[tilespmem:s14], [sflag:$0x5] =	stream.linear.gather [hbm4b:s13+s4], $0x80, $0x38;
	[tilespmem:$0x1FF00] =	vst v63  }
0x53: {  	s13 =	sadd.s32 $0x40, s9  }
0x54: {  	[tilespmem:s16], [sflag:$0x5] =	stream.linear.gather [hbm4b:s13+s4], $0x80, $0x38;
	[tilespmem:$0x1FF00] =	vst v63  }
0x55: {  	_ =	swait.ge [sflag:s23], $0x80  }
0x56: {  	[sflag:s23] =	ssyncset.done $0x0  }
0x57: {  	[sflag:s23] =	ssyncadd.s32 $0xFFFFFF80  }
0x58: {  	_ =	swait.ge [sflag:s23], $0x80  }
0x59: {  	[sflag:s23] =	ssyncset.done $0x0  }
0x5a: {  	[sflag:s23] =	ssyncadd.s32 $0xFFFFFF80  }
0x5b: {  	[tilespmem:s25], [sflag:$0x2] =	stream.indirect.gather [hbm4b:s1+s14], $0x80, s14, s14, $0xb8;
	[tilespmem:$0x1FF00] =	vst v63  }
0x5c: {  	_ =	swait.ge [sflag:s31], $0x4000  }
0x5d: {  	[sflag:s31] =	ssyncset.done $0x0  }
0x5e: {  	[sflag:s31] =	ssyncadd.s32 $0xFFFFC000  }
0x5f: {  	[spmem:s3] =	stream.indirect.scatter.add.f32 [tilespmem:s28], [sflag:$0x7], $0x80, s20, s14, $0xb8;
	[tilespmem:$0x1FF00] =	vst v63  }
0x60: {  	_ =	swait.ge [sflag:s11], $0x4000  }
0x61: {  	[sflag:s11] =	ssyncset.done $0x0  }
0x62: {  	s0 =	sadd.s32 $0x50, s0;
	[sflag:s11] =	ssyncadd.s32 $0xFFFFC000  }
0x63: {  	[tilespmem:s18], [sflag:$0x6] =	stream.linear.gather [hbm4b:s0+s4], $0x80, $0x38;
	[tilespmem:$0x1FF00] =	vst v63  }
0x64: {  	s5 =	sadd.s32 $0x50, s9;
	s0 =	simm.s32 $0x30  }
.LBB2_2:
0x65: {  	[tilespmem:s20], [sflag:$0x6] =	stream.linear.gather [hbm4b:s5+s4], $0x80, $0x38;
	[tilespmem:$0x1FF00] =	vst v63  }
0x66: {  	s9 =	smov.u32 s0  }
0x67: {  	p0 =	sne.s32 s0, $0x480;
	s0 =	sadd.s32 $0x30, s0;
	_ =	swait.ge [sflag:s26], $0x80  }
0x68: {  	[sflag:s26] =	ssyncset.done $0x0  }
0x69: {  	[sflag:s26] =	ssyncadd.s32 $0xFFFFFF80  }
0x6a: {  	_ =	swait.ge [sflag:s26], $0x80  }
0x6b: {  	[sflag:s26] =	ssyncset.done $0x0  }
0x6c: {  	[sflag:s26] =	ssyncadd.s32 $0xFFFFFF80  }
0x6d: {  	[tilespmem:s28], [sflag:$0x3] =	stream.indirect.gather [hbm4b:s1+s14], $0x80, s18, s14, $0xb8;
	[tilespmem:$0x1FF00] =	vst v63  }
0x6e: {  	_ =	swait.ge [sflag:s29], $0x4000  }
0x6f: {  	[sflag:s29] =	ssyncset.done $0x0  }
0x70: {  	[sflag:s29] =	ssyncadd.s32 $0xFFFFC000  }
0x71: {  	[spmem:s3] =	stream.indirect.scatter.add.f32 [tilespmem:s22], [sflag:$0x7], $0x80, s12, s14, $0xb8;
	[tilespmem:$0x1FF00] =	vst v63  }
0x72: {  	_ =	swait.ge [sflag:s11], $0x4000  }
0x73: {  	s5 =	sadd.s32 s9, s7;
	[sflag:s11] =	ssyncset.done $0x0  }
0x74: {  	s9 =	sadd.s32 s9, s8;
	s13 =	sadd.s32 $0x30, s5;
	[sflag:s11] =	ssyncadd.s32 $0xFFFFC000  }
0x75: {  	[tilespmem:s4], [sflag:$0x4] =	stream.linear.gather [hbm4b:s13+s4], $0x80, $0x38;
	[tilespmem:$0x1FF00] =	vst v63  }
0x76: {  	s13 =	sadd.s32 $0x30, s9  }
0x77: {  	[tilespmem:s12], [sflag:$0x4] =	stream.linear.gather [hbm4b:s13+s4], $0x80, $0x38;
	[tilespmem:$0x1FF00] =	vst v63  }
0x78: {  	_ =	swait.ge [sflag:s21], $0x80  }
0x79: {  	[sflag:s21] =	ssyncset.done $0x0  }
0x7a: {  	[sflag:s21] =	ssyncadd.s32 $0xFFFFFF80  }
0x7b: {  	_ =	swait.ge [sflag:s21], $0x80  }
0x7c: {  	[sflag:s21] =	ssyncset.done $0x0  }
0x7d: {  	[sflag:s21] =	ssyncadd.s32 $0xFFFFFF80  }
0x7e: {  	[tilespmem:s22], [sflag:$0x1] =	stream.indirect.gather [hbm4b:s1+s14], $0x80, s4, s14, $0xb8;
	[tilespmem:$0x1FF00] =	vst v63  }
0x7f: {  	_ =	swait.ge [sflag:s30], $0x4000  }
0x80: {  	[sflag:s30] =	ssyncset.done $0x0  }
0x81: {  	[sflag:s30] =	ssyncadd.s32 $0xFFFFC000  }
0x82: {  	[spmem:s3] =	stream.indirect.scatter.add.f32 [tilespmem:s25], [sflag:$0x7], $0x80, s16, s14, $0xb8;
	[tilespmem:$0x1FF00] =	vst v63  }
0x83: {  	_ =	swait.ge [sflag:s11], $0x4000  }
0x84: {  	[sflag:s11] =	ssyncset.done $0x0  }
0x85: {  	s13 =	sadd.s32 $0x40, s5;
	[sflag:s11] =	ssyncadd.s32 $0xFFFFC000  }
0x86: {  	[tilespmem:s14], [sflag:$0x5] =	stream.linear.gather [hbm4b:s13+s4], $0x80, $0x38;
	[tilespmem:$0x1FF00] =	vst v63  }
0x87: {  	s13 =	sadd.s32 $0x40, s9  }
0x88: {  	[tilespmem:s16], [sflag:$0x5] =	stream.linear.gather [hbm4b:s13+s4], $0x80, $0x38;
	[tilespmem:$0x1FF00] =	vst v63  }
0x89: {  	_ =	swait.ge [sflag:s23], $0x80  }
0x8a: {  	[sflag:s23] =	ssyncset.done $0x0  }
0x8b: {  	[sflag:s23] =	ssyncadd.s32 $0xFFFFFF80  }
0x8c: {  	_ =	swait.ge [sflag:s23], $0x80  }
0x8d: {  	[sflag:s23] =	ssyncset.done $0x0  }
0x8e: {  	[sflag:s23] =	ssyncadd.s32 $0xFFFFFF80  }
0x8f: {  	[tilespmem:s25], [sflag:$0x2] =	stream.indirect.gather [hbm4b:s1+s14], $0x80, s14, s14, $0xb8;
	[tilespmem:$0x1FF00] =	vst v63  }
0x90: {  	_ =	swait.ge [sflag:s31], $0x4000  }
0x91: {  	[sflag:s31] =	ssyncset.done $0x0  }
0x92: {  	[sflag:s31] =	ssyncadd.s32 $0xFFFFC000  }
0x93: {  	[spmem:s3] =	stream.indirect.scatter.add.f32 [tilespmem:s28], [sflag:$0x7], $0x80, s20, s14, $0xb8;
	[tilespmem:$0x1FF00] =	vst v63  }
.Ltmp0:
0x94: {  	_ =	swait.ge [sflag:s11], $0x4000;
	(pc) =	sbr.rel @p0 .LBB2_2-.Ltmp0, $4  }
0x95: {  	[sflag:s11] =	ssyncset.done $0x0  }
0x96: {  	s5 =	sadd.s32 $0x50, s5;
	[sflag:s11] =	ssyncadd.s32 $0xFFFFC000  }
0x97: {  	[tilespmem:s18], [sflag:$0x6] =	stream.linear.gather [hbm4b:s5+s4], $0x80, $0x38;
	[tilespmem:$0x1FF00] =	vst v63  }
0x98: {  	s5 =	sadd.s32 $0x50, s9  }
0x99: {  	[tilespmem:s20], [sflag:$0x6] =	stream.linear.gather [hbm4b:s5+s4], $0x80, $0x38;
	[tilespmem:$0x1FF00] =	vst v63  }
0x9a: {  	_ =	swait.ge [sflag:s26], $0x80  }
0x9b: {  	[sflag:s26] =	ssyncset.done $0x0  }
0x9c: {  	[sflag:s26] =	ssyncadd.s32 $0xFFFFFF80  }
0x9d: {  	_ =	swait.ge [sflag:s26], $0x80  }
0x9e: {  	[sflag:s26] =	ssyncset.done $0x0  }
0x9f: {  	[sflag:s26] =	ssyncadd.s32 $0xFFFFFF80  }
0xa0: {  	[tilespmem:s28], [sflag:$0x3] =	stream.indirect.gather [hbm4b:s1+s14], $0x80, s18, s14, $0xb8;
	[tilespmem:$0x1FF00] =	vst v63  }
0xa1: {  	_ =	swait.ge [sflag:s29], $0x4000  }
0xa2: {  	[sflag:s29] =	ssyncset.done $0x0  }
0xa3: {  	[sflag:s29] =	ssyncadd.s32 $0xFFFFC000  }
0xa4: {  	[spmem:s3] =	stream.indirect.scatter.add.f32 [tilespmem:s22], [sflag:$0x7], $0x80, s12, s14, $0xb8;
	[tilespmem:$0x1FF00] =	vst v63  }
0xa5: {  	_ =	swait.ge [sflag:s11], $0x4000  }
0xa6: {  	[sflag:s11] =	ssyncset.done $0x0  }
0xa7: {  	s0 =	sadd.s32 $0x4E0, s7;
	[sflag:s11] =	ssyncadd.s32 $0xFFFFC000  }
0xa8: {  	[tilespmem:s4], [sflag:$0x4] =	stream.linear.gather [hbm4b:s0+s4], $0x80, $0x38;
	[tilespmem:$0x1FF00] =	vst v63  }
0xa9: {  	s13 =	sadd.s32 $0x4E0, s8  }
0xaa: {  	[tilespmem:s12], [sflag:$0x4] =	stream.linear.gather [hbm4b:s13+s4], $0x80, $0x38;
	[tilespmem:$0x1FF00] =	vst v63  }
0xab: {  	_ =	swait.ge [sflag:s21], $0x80  }
0xac: {  	[sflag:s21] =	ssyncset.done $0x0  }
0xad: {  	[sflag:s21] =	ssyncadd.s32 $0xFFFFFF80  }
0xae: {  	_ =	swait.ge [sflag:s21], $0x80  }
0xaf: {  	[sflag:s21] =	ssyncset.done $0x0  }
0xb0: {  	[sflag:s21] =	ssyncadd.s32 $0xFFFFFF80  }
0xb1: {  	[tilespmem:s22], [sflag:$0x1] =	stream.indirect.gather [hbm4b:s1+s14], $0x80, s4, s14, $0xb8;
	[tilespmem:$0x1FF00] =	vst v63  }
0xb2: {  	_ =	swait.ge [sflag:s30], $0x4000  }
0xb3: {  	[sflag:s30] =	ssyncset.done $0x0  }
0xb4: {  	[sflag:s30] =	ssyncadd.s32 $0xFFFFC000  }
0xb5: {  	[spmem:s3] =	stream.indirect.scatter.add.f32 [tilespmem:s25], [sflag:$0x7], $0x80, s16, s14, $0xb8;
	[tilespmem:$0x1FF00] =	vst v63  }
0xb6: {  	_ =	swait.ge [sflag:s11], $0x4000  }
0xb7: {  	[sflag:s11] =	ssyncset.done $0x0  }
0xb8: {  	s5 =	sadd.s32 $0x4F0, s7;
	[sflag:s11] =	ssyncadd.s32 $0xFFFFC000  }
0xb9: {  	[tilespmem:s14], [sflag:$0x5] =	stream.linear.gather [hbm4b:s5+s4], $0x80, $0x38;
	[tilespmem:$0x1FF00] =	vst v63  }
0xba: {  	s9 =	sadd.s32 $0x4F0, s8  }
0xbb: {  	[tilespmem:s16], [sflag:$0x5] =	stream.linear.gather [hbm4b:s9+s4], $0x80, $0x38;
	[tilespmem:$0x1FF00] =	vst v63  }
0xbc: {  	_ =	swait.ge [sflag:s23], $0x80  }
0xbd: {  	[sflag:s23] =	ssyncset.done $0x0  }
0xbe: {  	[sflag:s23] =	ssyncadd.s32 $0xFFFFFF80  }
0xbf: {  	_ =	swait.ge [sflag:s23], $0x80  }
0xc0: {  	[sflag:s23] =	ssyncset.done $0x0  }
0xc1: {  	[sflag:s23] =	ssyncadd.s32 $0xFFFFFF80  }
0xc2: {  	[tilespmem:s25], [sflag:$0x2] =	stream.indirect.gather [hbm4b:s1+s14], $0x80, s14, s14, $0xb8;
	[tilespmem:$0x1FF00] =	vst v63  }
0xc3: {  	_ =	swait.ge [sflag:s31], $0x4000  }
0xc4: {  	[sflag:s31] =	ssyncset.done $0x0  }
0xc5: {  	[sflag:s31] =	ssyncadd.s32 $0xFFFFC000  }
0xc6: {  	[spmem:s3] =	stream.indirect.scatter.add.f32 [tilespmem:s28], [sflag:$0x7], $0x80, s20, s14, $0xb8;
	[tilespmem:$0x1FF00] =	vst v63  }
0xc7: {  	_ =	swait.ge [sflag:s11], $0x4000  }
0xc8: {  	[sflag:s11] =	ssyncset.done $0x0  }
0xc9: {  	[sflag:s11] =	ssyncadd.s32 $0xFFFFC000  }
0xca: {  	_ =	swait.ge [sflag:s29], $0x4000  }
0xcb: {  	[sflag:s29] =	ssyncset.done $0x0  }
0xcc: {  	[sflag:s29] =	ssyncadd.s32 $0xFFFFC000  }
0xcd: {  	[spmem:s3] =	stream.indirect.scatter.add.f32 [tilespmem:s22], [sflag:$0x7], $0x80, s12, s14, $0xb8;
	[tilespmem:$0x1FF00] =	vst v63  }
0xce: {  	_ =	swait.ge [sflag:s11], $0x4000  }
0xcf: {  	[sflag:s11] =	ssyncset.done $0x0  }
0xd0: {  	[sflag:s11] =	ssyncadd.s32 $0xFFFFC000  }
0xd1: {  	_ =	swait.ge [sflag:s30], $0x4000  }
0xd2: {  	[sflag:s30] =	ssyncset.done $0x0  }
0xd3: {  	[sflag:s30] =	ssyncadd.s32 $0xFFFFC000  }
0xd4: {  	[spmem:s3] =	stream.indirect.scatter.add.f32 [tilespmem:s25], [sflag:$0x7], $0x80, s16, s14, $0xb8;
	[tilespmem:$0x1FF00] =	vst v63  }
0xd5: {  	_ =	swait.ge [sflag:s11], $0x4000  }
0xd6: {  	[sflag:s11] =	ssyncset.done $0x0  }
0xd7: {  	[sflag:s11] =	ssyncadd.s32 $0xFFFFC000  }
0xd8: {  	[bflag:$0x0] =	sbarrier.arrive $0xFFFF  }
0xd9: {  	[hbm:s24], [sflag:s6] =	dma.local [spmem:s10], $0x2780  }
0xda: {  	_ =	swait.ge [sflag:s11], $0x2780  }
0xdb: {  	s2 =	sadd.s32 $0x1, s2;
	s13 =	rddreg [dreg:$0x5]  }
0xdc: {  	p0 =	sne.s32 s2, s13  }
.Ltmp1:
0xdd: {  	_ = 	snop;
	(pc) =	sbr.rel @p0 .LBB2_1-.Ltmp1, $3  }
0xde: {  	_ =	sdelay $0x1  }
0xdf: {  	[sflag:s11] =	ssyncset.done $0x0  }
0xe0: {  	[sflag:s11] =	ssyncadd.s32 $0xFFFFD880  }
0xe1: {  	_ =	sfence.sel $0x180000  }
0xe2: {  	[bflag:$0x0] =	sbarrier.arrive $0xFFFF  }
0xe3: {  	_ =	strace $0x9000004A  }
0xe4: {  	s0 =	stileid.u32;
	[bflag:$0x2] =	sbarrier.arrive $0xFFFF  }
0xe5: {  	p0 =	sne.s32 s0, $0x0;
	s0 =	rddreg [dreg:$0x3]  }
0xe6: {  	s0 =	sadd.s32 @!p0 $0x100000, s0  }
0xe7: {  	[sflag:s0] =	ssyncadd.tile.s32 @!p0 $0x1;
	_ =	shalt  }
.Lfunc_end2:
_tile_overlayer_lowered:
.L_overlay_start_2:
0xe8: {  	(tag) =	ssettag $0x2  }
0xe9: {  	s0 =	rddreg [dreg:$0x0];
	s2 =	stileid.u32  }
0xea: {  	s1 =	rddreg [dreg:$0x1];
	p0 =	sne.s32 s2, $0x0  }
0xeb: {  	s3 =	rddreg [dreg:$0x2];
	[bflag:$0x3] =	sbarrier.arrive $0xFFFF;
	s2 =	simm.s32 @!p0 $0x1C07  }
0xec: {  	[timem:s3], [sflag:s2] =	dma.local @!p0 [hbm:s0], s1  }
0xed: {  	s0 =	simm.s32 @!p0 $0x7  }
0xee: {  	_ =	swait.ge @!p0 [sflag:s0], s1  }
0xef: {  	s1 =	ssub.s32 @!p0 $0x0, s1;
	[sflag:s0] =	ssyncset.done @!p0 $0x0  }
0xf0: {  	[sflag:s0] =	ssyncadd.s32 @!p0 s1  }
0xf1: {  	[bflag:$0x3] =	sbarrier.arrive $0xFFFF  }
0xf2: {  	_ =	shalt  }

</sc_bundles>
